<compile_context>
chip_gen: v7x
topology: tpu7x:2x2x1
jax: 0.10.2.dev20260603
libtpu: 0.0.44.dev20260713+nightly
codegen_flags: <defaults>
</compile_context>

<pallas_src>
import jax
import jax.numpy as jnp
from jax import lax
from jax.experimental import pallas as pl
from jax.experimental.pallas import tpu as pltpu
from jax.experimental.pallas import tpu_sc as plsc

EMA_DECAY = 0.99
K = 1024
D = 64
TN = 4096

try:
    _SC_INFO = plsc.get_sparse_core_info()
    NC = _SC_INFO.num_cores
    NS = _SC_INFO.num_subcores
except Exception:
    NC, NS = 2, 16
NW = NC * NS


def _stage_a(x_ref, embT2_ref, idx_ref):
    x_tile = x_ref[...]
    embT2 = embT2_ref[...]
    e2 = 0.25 * jnp.sum(embT2 * embT2, axis=0, keepdims=True)
    a2 = jnp.sum(x_tile * x_tile, axis=1, keepdims=True)
    mm2 = jax.lax.dot_general(x_tile, embT2, (((1,), (0,)), ((), ())),
                              preferred_element_type=jnp.float32)
    dist = (a2 - mm2) + e2
    idxc = jnp.argmin(dist, axis=1).reshape(TN, 1)
    idx_ref[...] = idxc.T.reshape(1, 1, TN)


def _sc_accum(flat_hbm, idx_hbm, r_hbm, z64_hbm, z8_hbm, ones8_hbm,
              psum_hbm, pcnt_hbm, xr_hbm,
              idx_v, rows_v, ones_v, ridx_v, xrrows_v, sem,
              ssum, scnt):
    c = lax.axis_index("c")
    s = lax.axis_index("s")
    wid = s * NC + c
    rows_per_w = flat_hbm.shape[0] // NW
    base = wid * rows_per_w

    @pl.when(s == 0)
    def _init():
        pltpu.sync_copy(z64_hbm, ssum)
        pltpu.sync_copy(z8_hbm, scnt)

    plsc.subcore_barrier()

    pltpu.sync_copy(idx_hbm.at[pl.ds(base, rows_per_w)], idx_v)
    pltpu.sync_copy(flat_hbm.at[pl.ds(base, rows_per_w)], rows_v)
    pltpu.sync_copy(ones8_hbm, ones_v)
    pltpu.sync_copy(rows_v, ssum.at[idx_v], add=True)
    pltpu.sync_copy(ones_v, scnt.at[idx_v], add=True)

    rpw = K // NW
    pltpu.sync_copy(r_hbm.at[pl.ds(wid * rpw, rpw)], ridx_v)
    pltpu.async_copy(flat_hbm.at[ridx_v], xrrows_v, sem).wait()
    pltpu.sync_copy(xrrows_v, xr_hbm.at[pl.ds(wid * rpw, rpw), 0:D])

    plsc.subcore_barrier()

    @pl.when((s == 0) & (c == 0))
    def _publish0():
        pltpu.sync_copy(ssum, psum_hbm.at[:, 0:D])
        pltpu.sync_copy(scnt, pcnt_hbm.at[:, 0:8])

    @pl.when((s == 0) & (c == 1))
    def _publish1():
        pltpu.sync_copy(ssum, psum_hbm.at[:, D:2 * D])
        pltpu.sync_copy(scnt, pcnt_hbm.at[:, 8:16])


def _stage_b(psum_ref, pcnt_ref, cnt_ref, sumw_ref, emb_ref, xr_ref,
             istrain_ref, out_ref):
    seg_sum = psum_ref[:, 0:D] + psum_ref[:, D:2 * D]
    seg_cnt = pcnt_ref[:, 0:1] + pcnt_ref[:, 8:9]
    cnt = cnt_ref[...]
    nc = cnt + (1.0 - EMA_DECAY) * (seg_cnt - cnt)
    usage = (nc >= 1.0).astype(jnp.float32)
    nc = nc * usage + (1.0 - usage)
    ns = sumw_ref[...] + (1.0 - EMA_DECAY) * (seg_sum - sumw_ref[...])
    emb_train = ns / nc
    emb_train = usage * emb_train + (1.0 - usage) * xr_ref[:, 0:D]
    t = istrain_ref[0, 0] > 0.0
    emb = jnp.where(t, emb_train, emb_ref[...])
    hi = emb.astype(jnp.bfloat16).astype(jnp.float32)
    r1 = emb - hi
    mid = r1.astype(jnp.bfloat16).astype(jnp.float32)
    out_ref[...] = jnp.concatenate([hi, mid, r1 - mid], axis=1)


def _stage_c(idx_ref, emb3_ref, out_ref):
    idxc = idx_ref[...].reshape(1, TN).T
    iota = jax.lax.broadcasted_iota(jnp.int32, (TN, K), 1)
    onehot = (iota == idxc).astype(jnp.float32)
    q3 = jax.lax.dot_general(onehot, emb3_ref[...], (((1,), (0,)), ((), ())),
                             preferred_element_type=jnp.float32)
    out_ref[...] = (q3[:, 0:D] + q3[:, D:2 * D]) + q3[:, 2 * D:3 * D]


def kernel(x, is_training, embedding, count, sum_w):
    n = x.shape[0] * x.shape[1]
    flat = x.reshape(n, D)
    grid = n // TN
    embT2 = embedding.T * 2.0
    rows_per_w = n // NW
    rpw = K // NW

    idx = pl.pallas_call(
        _stage_a,
        grid=(grid,),
        in_specs=[
            pl.BlockSpec((TN, D), lambda i: (i, 0)),
            pl.BlockSpec((D, K), lambda i: (0, 0)),
        ],
        out_specs=pl.BlockSpec((1, 1, TN), lambda i: (i, 0, 0)),
        out_shape=jax.ShapeDtypeStruct((grid, 1, TN), jnp.int32),
    )(flat, embT2)
    idx_flat = idx.reshape(n)

    r = jax.random.randint(jax.random.key(42), (K,), 0, n)
    z64 = jnp.zeros((K, D), jnp.float32)
    z8 = jnp.zeros((K, 8), jnp.float32)
    ones8 = jnp.ones((rows_per_w, 8), jnp.float32)

    mesh = plsc.VectorSubcoreMesh(core_axis_name="c", subcore_axis_name="s")
    sc_params = pltpu.CompilerParams(use_tc_tiling_on_sc=False)
    psum, pcnt, xr = pl.kernel(
        _sc_accum,
        compiler_params=sc_params,
        out_type=[
            jax.ShapeDtypeStruct((K, 128), jnp.float32),
            jax.ShapeDtypeStruct((K, 128), jnp.float32),
            jax.ShapeDtypeStruct((K, 128), jnp.float32),
        ],
        mesh=mesh,
        scratch_types=[
            pltpu.VMEM((rows_per_w,), jnp.int32),
            pltpu.VMEM((rows_per_w, D), jnp.float32),
            pltpu.VMEM((rows_per_w, 8), jnp.float32),
            pltpu.VMEM((rpw,), jnp.int32),
            pltpu.VMEM((rpw, D), jnp.float32),
            pltpu.SemaphoreType.DMA,
            pltpu.VMEM_SHARED((K, D), jnp.float32),
            pltpu.VMEM_SHARED((K, 8), jnp.float32),
        ],
    )(flat, idx_flat, r, z64, z8, ones8)

    istrain = jnp.asarray(is_training, jnp.float32).reshape(1, 1)
    cnt_col = count.reshape(K, 1)

    emb = pl.pallas_call(
        _stage_b,
        in_specs=[
            pl.BlockSpec((K, 128), lambda: (0, 0)),
            pl.BlockSpec((K, 128), lambda: (0, 0)),
            pl.BlockSpec((K, 1), lambda: (0, 0)),
            pl.BlockSpec((K, D), lambda: (0, 0)),
            pl.BlockSpec((K, D), lambda: (0, 0)),
            pl.BlockSpec((K, 128), lambda: (0, 0)),
            pl.BlockSpec((1, 1), lambda: (0, 0)),
        ],
        out_specs=pl.BlockSpec((K, 3 * D), lambda: (0, 0)),
        out_shape=jax.ShapeDtypeStruct((K, 3 * D), jnp.float32),
    )(psum, pcnt, cnt_col, sum_w, embedding, xr, istrain)

    out = pl.pallas_call(
        _stage_c,
        grid=(grid,),
        in_specs=[
            pl.BlockSpec((1, 1, TN), lambda i: (i, 0, 0)),
            pl.BlockSpec((K, 3 * D), lambda i: (0, 0)),
        ],
        out_specs=pl.BlockSpec((TN, D), lambda i: (i, 0)),
        out_shape=jax.ShapeDtypeStruct((n, D), jnp.float32),
    )(idx, emb)

    return out.reshape(x.shape)

# --- scband reference (transcript-rebuilt; emitter-appended) ---
"""Pipeline reference for scband-quantizer-12850542150477 (READ-ONLY COPY).

The authoritative reference and input builder live on the scoring server;
editing this copy changes nothing except your own understanding.
"""

import jax, jax.numpy as jnp
import numpy as np

EMA_DECAY = 0.99
K = 1024
D = 64

def setup_inputs(seed: int = 0) -> dict:
    key = jax.random.key(seed)
    k1, k2 = jax.random.split(key, 2)
    x = jax.random.normal(k1, (32, 1024, 64), dtype=jnp.float32)
    # Codebook state (non-trainable weights in the Keras model). The one-time
    # is_initialized branch is modeled by starting from an already-initialized
    # codebook; per the init branch, sum starts equal to embedding and count = 1.
    embedding = jax.random.normal(k2, (K, D), dtype=jnp.float32)
    count = jnp.ones((K,), dtype=jnp.float32)
    sum_w = embedding
    return {"x": x, "is_training": True, "embedding": embedding, "count": count, "sum_w": sum_w}

def reference(x, is_training, embedding, count, sum_w):
    d = x.shape[-1]
    flat_input = x.reshape(-1, d)
    t_embedding = embedding.T  # [D, K]
    distance = (jnp.sum(flat_input ** 2, axis=1, keepdims=True)
                - 2.0 * (flat_input @ t_embedding)
                + jnp.sum(t_embedding ** 2, axis=0, keepdims=True))
    encoding_index = jnp.argmin(distance, axis=1)
    onehot = jax.nn.one_hot(encoding_index, K, axis=0, dtype=flat_input.dtype)  # [K, N]
    new_count = count + (1.0 - EMA_DECAY) * (jnp.sum(onehot, axis=1) - count)
    usage = (new_count >= 1.0).astype(new_count.dtype)
    new_count = new_count * usage + (1.0 - usage)
    new_sum = sum_w + (1.0 - EMA_DECAY) * (onehot @ flat_input - sum_w)
    r = jax.random.randint(jax.random.key(42), (K,), 0, flat_input.shape[0])
    usage_e = usage[:, None]
    emb_train = new_sum / new_count[:, None]
    emb_train = usage_e * emb_train + (1.0 - usage_e) * jnp.take(flat_input, r, axis=0)
    emb = jnp.where(is_training, emb_train, embedding)
    idx_r = encoding_index.reshape(x.shape[:-1])
    quantized = jnp.take(emb, idx_r, axis=0)
    quantized = jnp.where(is_training,
                          x + jax.lax.stop_gradient(quantized - x),
                          quantized)
    return quantized

if __name__ == "__main__":
    import jax
    _d = setup_inputs()
    print(jax.jit(kernel)(*tuple(_d.values())))

</pallas_src>

<mosaic_0001>
#map = affine_map<(d0, d1) -> (0, 0)>
#map1 = affine_map<(d0, d1) -> (0)>
module attributes {stable_mosaic.version = 14 : i64} {
  func.func @_sc_accum(%arg0: i32, %arg1: i32, %arg2: memref<32768x64xf32, #tpu.memory_space<hbm>>, %arg3: memref<32768xi32, #tpu.memory_space<hbm>>, %arg4: memref<1024xi32, #tpu.memory_space<hbm>>, %arg5: memref<1024x64xf32, #tpu.memory_space<hbm>>, %arg6: memref<1024x8xf32, #tpu.memory_space<hbm>>, %arg7: memref<1024x8xf32, #tpu.memory_space<hbm>>, %arg8: memref<1024x128xf32, #tpu.memory_space<hbm>>, %arg9: memref<1024x128xf32, #tpu.memory_space<hbm>>, %arg10: memref<1024x128xf32, #tpu.memory_space<hbm>>, %arg11: memref<1024xi32, #tpu.memory_space<vmem>>, %arg12: memref<1024x64xf32, #tpu.memory_space<vmem>>, %arg13: memref<1024x8xf32, #tpu.memory_space<vmem>>, %arg14: memref<32xi32, #tpu.memory_space<vmem>>, %arg15: memref<32x64xf32, #tpu.memory_space<vmem>>, %arg16: memref<!tpu.dma_semaphore, #tpu.memory_space<semaphore_mem>>, %arg17: memref<1024x64xf32, #tpu.memory_space<vmem_shared>>, %arg18: memref<1024x8xf32, #tpu.memory_space<vmem_shared>>) attributes {dimension_semantics = [#tpu.dimension_semantics<core_parallel>, #tpu.dimension_semantics<subcore_parallel>], iteration_bounds = array<i64: 2, 16>, scalar_prefetch = 0 : i64, scratch_operands = 8 : i64, tpu.core_type = #tpu.core_type<sc_vector_subcore>, window_params = [{transform_indices = #map}, {transform_indices = #map1}, {transform_indices = #map1}, {transform_indices = #map}, {transform_indices = #map}, {transform_indices = #map}, {transform_indices = #map}, {transform_indices = #map}, {transform_indices = #map}]} {
    %mul3A = arith.constant 2 : i32
    %mul3A_0 = arith.muli %arg1, %mul3A : i32
    %add3A = arith.addi %mul3A_0, %arg0 : i32
    %mul3A_1 = arith.constant 1024 : i32
    %mul3A_2 = arith.muli %add3A, %mul3A_1 : i32
    %eq3A = arith.constant 0 : i32
    %eq3A_3 = arith.cmpi eq, %arg1, %eq3A : i32
    %convert_element_type3A = arith.extui %eq3A_3 : i1 to i32
    %cond3A = arith.constant 0 : i32
    %cond3A_4 = arith.cmpi ne, %convert_element_type3A, %cond3A : i32
    scf.if %cond3A_4 {
      "tpu.region"() ({
        %run_scoped3A = tpu.sem_alloc : memref<!tpu.dma_semaphore, #tpu.memory_space<semaphore_mem>>
        tpu.enqueue_dma source(%arg5 : memref<1024x64xf32, #tpu.memory_space<hbm>>) target(%arg17 : memref<1024x64xf32, #tpu.memory_space<vmem_shared>>) target_semaphore(%run_scoped3A : memref<!tpu.dma_semaphore, #tpu.memory_space<semaphore_mem>>)
        tpu.wait_dma2 semaphore(%run_scoped3A : memref<!tpu.dma_semaphore, #tpu.memory_space<semaphore_mem>>) src(%arg5 : memref<1024x64xf32, #tpu.memory_space<hbm>>) dst(%arg17 : memref<1024x64xf32, #tpu.memory_space<vmem_shared>>)
        tpu.yield
      }) : () -> ()
      "tpu.region"() ({
        %run_scoped3A = tpu.sem_alloc : memref<!tpu.dma_semaphore, #tpu.memory_space<semaphore_mem>>
        tpu.enqueue_dma source(%arg6 : memref<1024x8xf32, #tpu.memory_space<hbm>>) target(%arg18 : memref<1024x8xf32, #tpu.memory_space<vmem_shared>>) target_semaphore(%run_scoped3A : memref<!tpu.dma_semaphore, #tpu.memory_space<semaphore_mem>>)
        tpu.wait_dma2 semaphore(%run_scoped3A : memref<!tpu.dma_semaphore, #tpu.memory_space<semaphore_mem>>) src(%arg6 : memref<1024x8xf32, #tpu.memory_space<hbm>>) dst(%arg18 : memref<1024x8xf32, #tpu.memory_space<vmem_shared>>)
        tpu.yield
      }) : () -> ()
    } else {
    }
    %barrier3A = arith.constant 0 : index
    tpu.barrier barrier_id(%barrier3A)
    "tpu.region"() ({
      %run_scoped3A = tpu.sem_alloc : memref<!tpu.dma_semaphore, #tpu.memory_space<semaphore_mem>>
      %dma_start3A_29 = tpu.memref_slice %arg3[%mul3A_2] : memref<32768xi32, #tpu.memory_space<hbm>> -> memref<1024xi32, #tpu.memory_space<hbm>>
      %dma_start3A_30 = tpu.memref_slice %arg3[%mul3A_2] : memref<32768xi32, #tpu.memory_space<hbm>> -> memref<1024xi32, #tpu.memory_space<hbm>>
      tpu.enqueue_dma source(%dma_start3A_30 : memref<1024xi32, #tpu.memory_space<hbm>>) target(%arg11 : memref<1024xi32, #tpu.memory_space<vmem>>) target_semaphore(%run_scoped3A : memref<!tpu.dma_semaphore, #tpu.memory_space<semaphore_mem>>)
      %dma_wait3A_31 = tpu.memref_slice %arg3[%mul3A_2] : memref<32768xi32, #tpu.memory_space<hbm>> -> memref<1024xi32, #tpu.memory_space<hbm>>
      %dma_wait3A_32 = tpu.memref_slice %arg3[%mul3A_2] : memref<32768xi32, #tpu.memory_space<hbm>> -> memref<1024xi32, #tpu.memory_space<hbm>>
      tpu.wait_dma2 semaphore(%run_scoped3A : memref<!tpu.dma_semaphore, #tpu.memory_space<semaphore_mem>>) src(%dma_wait3A_32 : memref<1024xi32, #tpu.memory_space<hbm>>) dst(%arg11 : memref<1024xi32, #tpu.memory_space<vmem>>)
      tpu.yield
    }) : () -> ()
    "tpu.region"() ({
      %run_scoped3A = tpu.sem_alloc : memref<!tpu.dma_semaphore, #tpu.memory_space<semaphore_mem>>
      %dma_start3A_29 = arith.constant 0 : i32
      %dma_start3A_30 = tpu.memref_slice %arg2[%mul3A_2, %dma_start3A_29] : memref<32768x64xf32, #tpu.memory_space<hbm>> -> memref<1024x64xf32, #tpu.memory_space<hbm>>
      %dma_start3A_31 = arith.constant 0 : i32
      %dma_start3A_32 = tpu.memref_slice %arg2[%mul3A_2, %dma_start3A_31] : memref<32768x64xf32, #tpu.memory_space<hbm>> -> memref<1024x64xf32, #tpu.memory_space<hbm>>
      tpu.enqueue_dma source(%dma_start3A_32 : memref<1024x64xf32, #tpu.memory_space<hbm>>) target(%arg12 : memref<1024x64xf32, #tpu.memory_space<vmem>>) target_semaphore(%run_scoped3A : memref<!tpu.dma_semaphore, #tpu.memory_space<semaphore_mem>>)
      %dma_wait3A_33 = arith.constant 0 : i32
      %dma_wait3A_34 = tpu.memref_slice %arg2[%mul3A_2, %dma_wait3A_33] : memref<32768x64xf32, #tpu.memory_space<hbm>> -> memref<1024x64xf32, #tpu.memory_space<hbm>>
      %dma_wait3A_35 = arith.constant 0 : i32
      %dma_wait3A_36 = tpu.memref_slice %arg2[%mul3A_2, %dma_wait3A_35] : memref<32768x64xf32, #tpu.memory_space<hbm>> -> memref<1024x64xf32, #tpu.memory_space<hbm>>
      tpu.wait_dma2 semaphore(%run_scoped3A : memref<!tpu.dma_semaphore, #tpu.memory_space<semaphore_mem>>) src(%dma_wait3A_36 : memref<1024x64xf32, #tpu.memory_space<hbm>>) dst(%arg12 : memref<1024x64xf32, #tpu.memory_space<vmem>>)
      tpu.yield
    }) : () -> ()
    "tpu.region"() ({
      %run_scoped3A = tpu.sem_alloc : memref<!tpu.dma_semaphore, #tpu.memory_space<semaphore_mem>>
      tpu.enqueue_dma source(%arg7 : memref<1024x8xf32, #tpu.memory_space<hbm>>) target(%arg13 : memref<1024x8xf32, #tpu.memory_space<vmem>>) target_semaphore(%run_scoped3A : memref<!tpu.dma_semaphore, #tpu.memory_space<semaphore_mem>>)
      tpu.wait_dma2 semaphore(%run_scoped3A : memref<!tpu.dma_semaphore, #tpu.memory_space<semaphore_mem>>) src(%arg7 : memref<1024x8xf32, #tpu.memory_space<hbm>>) dst(%arg13 : memref<1024x8xf32, #tpu.memory_space<vmem>>)
      tpu.yield
    }) : () -> ()
    "tpu.region"() ({
      %run_scoped3A = tpu.sem_alloc : memref<!tpu.dma_semaphore, #tpu.memory_space<semaphore_mem>>
      %dma_start3A_29 = arith.constant 0 : i32
      %dma_start3A_30 = arith.constant 0 : i32
      %dma_start3A_31 = tpu.memref_slice %arg17[%dma_start3A_29, %dma_start3A_30] : memref<1024x64xf32, #tpu.memory_space<vmem_shared>> -> memref<1024x64xf32, #tpu.memory_space<vmem_shared>>
      tpu.enqueue_indirect_dma source(%arg12 : memref<1024x64xf32, #tpu.memory_space<vmem>>) target(%dma_start3A_31 : memref<1024x64xf32, #tpu.memory_space<vmem_shared>>) offsets(%arg11 : memref<1024xi32, #tpu.memory_space<vmem>>) semaphore(%run_scoped3A : memref<!tpu.dma_semaphore, #tpu.memory_space<semaphore_mem>>) {add = true}
      %dma_wait3A_32 = arith.constant 0 : i32
      %dma_wait3A_33 = arith.constant 0 : i32
      %dma_wait3A_34 = tpu.memref_slice %arg17[%dma_wait3A_32, %dma_wait3A_33] : memref<1024x64xf32, #tpu.memory_space<vmem_shared>> -> memref<1024x64xf32, #tpu.memory_space<vmem_shared>>
      tpu.wait_indirect_dma semaphore(%run_scoped3A : memref<!tpu.dma_semaphore, #tpu.memory_space<semaphore_mem>>) src(%arg12 : memref<1024x64xf32, #tpu.memory_space<vmem>>) dst(%dma_wait3A_34 : memref<1024x64xf32, #tpu.memory_space<vmem_shared>>)
      tpu.yield
    }) : () -> ()
    "tpu.region"() ({
      %run_scoped3A = tpu.sem_alloc : memref<!tpu.dma_semaphore, #tpu.memory_space<semaphore_mem>>
      %dma_start3A_29 = arith.constant 0 : i32
      %dma_start3A_30 = arith.constant 0 : i32
      %dma_start3A_31 = tpu.memref_slice %arg18[%dma_start3A_29, %dma_start3A_30] : memref<1024x8xf32, #tpu.memory_space<vmem_shared>> -> memref<1024x8xf32, #tpu.memory_space<vmem_shared>>
      tpu.enqueue_indirect_dma source(%arg13 : memref<1024x8xf32, #tpu.memory_space<vmem>>) target(%dma_start3A_31 : memref<1024x8xf32, #tpu.memory_space<vmem_shared>>) offsets(%arg11 : memref<1024xi32, #tpu.memory_space<vmem>>) semaphore(%run_scoped3A : memref<!tpu.dma_semaphore, #tpu.memory_space<semaphore_mem>>) {add = true}
      %dma_wait3A_32 = arith.constant 0 : i32
      %dma_wait3A_33 = arith.constant 0 : i32
      %dma_wait3A_34 = tpu.memref_slice %arg18[%dma_wait3A_32, %dma_wait3A_33] : memref<1024x8xf32, #tpu.memory_space<vmem_shared>> -> memref<1024x8xf32, #tpu.memory_space<vmem_shared>>
      tpu.wait_indirect_dma semaphore(%run_scoped3A : memref<!tpu.dma_semaphore, #tpu.memory_space<semaphore_mem>>) src(%arg13 : memref<1024x8xf32, #tpu.memory_space<vmem>>) dst(%dma_wait3A_34 : memref<1024x8xf32, #tpu.memory_space<vmem_shared>>)
      tpu.yield
    }) : () -> ()
    %mul3A_5 = arith.constant 32 : i32
    %mul3A_6 = arith.muli %add3A, %mul3A_5 : i32
    "tpu.region"() ({
      %run_scoped3A = tpu.sem_alloc : memref<!tpu.dma_semaphore, #tpu.memory_space<semaphore_mem>>
      %dma_start3A_29 = tpu.memref_slice %arg4[%mul3A_6] : memref<1024xi32, #tpu.memory_space<hbm>> -> memref<32xi32, #tpu.memory_space<hbm>>
      %dma_start3A_30 = tpu.memref_slice %arg4[%mul3A_6] : memref<1024xi32, #tpu.memory_space<hbm>> -> memref<32xi32, #tpu.memory_space<hbm>>
      tpu.enqueue_dma source(%dma_start3A_30 : memref<32xi32, #tpu.memory_space<hbm>>) target(%arg14 : memref<32xi32, #tpu.memory_space<vmem>>) target_semaphore(%run_scoped3A : memref<!tpu.dma_semaphore, #tpu.memory_space<semaphore_mem>>)
      %dma_wait3A_31 = tpu.memref_slice %arg4[%mul3A_6] : memref<1024xi32, #tpu.memory_space<hbm>> -> memref<32xi32, #tpu.memory_space<hbm>>
      %dma_wait3A_32 = tpu.memref_slice %arg4[%mul3A_6] : memref<1024xi32, #tpu.memory_space<hbm>> -> memref<32xi32, #tpu.memory_space<hbm>>
      tpu.wait_dma2 semaphore(%run_scoped3A : memref<!tpu.dma_semaphore, #tpu.memory_space<semaphore_mem>>) src(%dma_wait3A_32 : memref<32xi32, #tpu.memory_space<hbm>>) dst(%arg14 : memref<32xi32, #tpu.memory_space<vmem>>)
      tpu.yield
    }) : () -> ()
    %dma_start3A = arith.constant 0 : i32
    %dma_start3A_7 = arith.constant 0 : i32
    %dma_start3A_8 = tpu.memref_slice %arg2[%dma_start3A, %dma_start3A_7] : memref<32768x64xf32, #tpu.memory_space<hbm>> -> memref<32768x64xf32, #tpu.memory_space<hbm>>
    tpu.enqueue_indirect_dma source(%dma_start3A_8 : memref<32768x64xf32, #tpu.memory_space<hbm>>) target(%arg15 : memref<32x64xf32, #tpu.memory_space<vmem>>) offsets(%arg14 : memref<32xi32, #tpu.memory_space<vmem>>) semaphore(%arg16 : memref<!tpu.dma_semaphore, #tpu.memory_space<semaphore_mem>>)
    %dma_wait3A = arith.constant 0 : i32
    %dma_wait3A_9 = arith.constant 0 : i32
    %dma_wait3A_10 = tpu.memref_slice %arg2[%dma_wait3A, %dma_wait3A_9] : memref<32768x64xf32, #tpu.memory_space<hbm>> -> memref<32768x64xf32, #tpu.memory_space<hbm>>
    tpu.wait_indirect_dma semaphore(%arg16 : memref<!tpu.dma_semaphore, #tpu.memory_space<semaphore_mem>>) src(%dma_wait3A_10 : memref<32768x64xf32, #tpu.memory_space<hbm>>) dst(%arg15 : memref<32x64xf32, #tpu.memory_space<vmem>>)
    %mul3A_11 = arith.constant 32 : i32
    %mul3A_12 = arith.muli %add3A, %mul3A_11 : i32
    "tpu.region"() ({
      %run_scoped3A = tpu.sem_alloc : memref<!tpu.dma_semaphore, #tpu.memory_space<semaphore_mem>>
      %dma_start3A_29 = arith.constant 0 : i32
      %dma_start3A_30 = tpu.memref_slice %arg10[%mul3A_12, %dma_start3A_29] : memref<1024x128xf32, #tpu.memory_space<hbm>> -> memref<32x64xf32, #tpu.memory_space<hbm>>
      %dma_start3A_31 = arith.constant 0 : i32
      %dma_start3A_32 = tpu.memref_slice %arg10[%mul3A_12, %dma_start3A_31] : memref<1024x128xf32, #tpu.memory_space<hbm>> -> memref<32x64xf32, #tpu.memory_space<hbm>>
      tpu.enqueue_dma source(%arg15 : memref<32x64xf32, #tpu.memory_space<vmem>>) target(%dma_start3A_32 : memref<32x64xf32, #tpu.memory_space<hbm>>) target_semaphore(%run_scoped3A : memref<!tpu.dma_semaphore, #tpu.memory_space<semaphore_mem>>)
      %dma_wait3A_33 = arith.constant 0 : i32
      %dma_wait3A_34 = tpu.memref_slice %arg10[%mul3A_12, %dma_wait3A_33] : memref<1024x128xf32, #tpu.memory_space<hbm>> -> memref<32x64xf32, #tpu.memory_space<hbm>>
      %dma_wait3A_35 = arith.constant 0 : i32
      %dma_wait3A_36 = tpu.memref_slice %arg10[%mul3A_12, %dma_wait3A_35] : memref<1024x128xf32, #tpu.memory_space<hbm>> -> memref<32x64xf32, #tpu.memory_space<hbm>>
      tpu.wait_dma2 semaphore(%run_scoped3A : memref<!tpu.dma_semaphore, #tpu.memory_space<semaphore_mem>>) src(%arg15 : memref<32x64xf32, #tpu.memory_space<vmem>>) dst(%dma_wait3A_36 : memref<32x64xf32, #tpu.memory_space<hbm>>)
      tpu.yield
    }) : () -> ()
    %barrier3A_13 = arith.constant 0 : index
    tpu.barrier barrier_id(%barrier3A_13)
    %eq3A_14 = arith.constant 0 : i32
    %eq3A_15 = arith.cmpi eq, %arg1, %eq3A_14 : i32
    %eq3A_16 = arith.constant 0 : i32
    %eq3A_17 = arith.cmpi eq, %arg0, %eq3A_16 : i32
    %and3A = arith.andi %eq3A_15, %eq3A_17 : i1
    %convert_element_type3A_18 = arith.extui %and3A : i1 to i32
    %cond3A_19 = arith.constant 0 : i32
    %cond3A_20 = arith.cmpi ne, %convert_element_type3A_18, %cond3A_19 : i32
    scf.if %cond3A_20 {
      "tpu.region"() ({
        %run_scoped3A = tpu.sem_alloc : memref<!tpu.dma_semaphore, #tpu.memory_space<semaphore_mem>>
        %dma_start3A_29 = arith.constant 0 : i32
        %dma_start3A_30 = arith.constant 0 : i32
        %dma_start3A_31 = tpu.memref_slice %arg8[%dma_start3A_29, %dma_start3A_30] : memref<1024x128xf32, #tpu.memory_space<hbm>> -> memref<1024x64xf32, #tpu.memory_space<hbm>>
        tpu.enqueue_dma source(%arg17 : memref<1024x64xf32, #tpu.memory_space<vmem_shared>>) target(%dma_start3A_31 : memref<1024x64xf32, #tpu.memory_space<hbm>>) target_semaphore(%run_scoped3A : memref<!tpu.dma_semaphore, #tpu.memory_space<semaphore_mem>>)
        %dma_wait3A_32 = arith.constant 0 : i32
        %dma_wait3A_33 = arith.constant 0 : i32
        %dma_wait3A_34 = tpu.memref_slice %arg8[%dma_wait3A_32, %dma_wait3A_33] : memref<1024x128xf32, #tpu.memory_space<hbm>> -> memref<1024x64xf32, #tpu.memory_space<hbm>>
        tpu.wait_dma2 semaphore(%run_scoped3A : memref<!tpu.dma_semaphore, #tpu.memory_space<semaphore_mem>>) src(%arg17 : memref<1024x64xf32, #tpu.memory_space<vmem_shared>>) dst(%dma_wait3A_34 : memref<1024x64xf32, #tpu.memory_space<hbm>>)
        tpu.yield
      }) : () -> ()
      "tpu.region"() ({
        %run_scoped3A = tpu.sem_alloc : memref<!tpu.dma_semaphore, #tpu.memory_space<semaphore_mem>>
        %dma_start3A_29 = arith.constant 0 : i32
        %dma_start3A_30 = arith.constant 0 : i32
        %dma_start3A_31 = tpu.memref_slice %arg9[%dma_start3A_29, %dma_start3A_30] : memref<1024x128xf32, #tpu.memory_space<hbm>> -> memref<1024x8xf32, #tpu.memory_space<hbm>>
        tpu.enqueue_dma source(%arg18 : memref<1024x8xf32, #tpu.memory_space<vmem_shared>>) target(%dma_start3A_31 : memref<1024x8xf32, #tpu.memory_space<hbm>>) target_semaphore(%run_scoped3A : memref<!tpu.dma_semaphore, #tpu.memory_space<semaphore_mem>>)
        %dma_wait3A_32 = arith.constant 0 : i32
        %dma_wait3A_33 = arith.constant 0 : i32
        %dma_wait3A_34 = tpu.memref_slice %arg9[%dma_wait3A_32, %dma_wait3A_33] : memref<1024x128xf32, #tpu.memory_space<hbm>> -> memref<1024x8xf32, #tpu.memory_space<hbm>>
        tpu.wait_dma2 semaphore(%run_scoped3A : memref<!tpu.dma_semaphore, #tpu.memory_space<semaphore_mem>>) src(%arg18 : memref<1024x8xf32, #tpu.memory_space<vmem_shared>>) dst(%dma_wait3A_34 : memref<1024x8xf32, #tpu.memory_space<hbm>>)
        tpu.yield
      }) : () -> ()
    } else {
    }
    %eq3A_21 = arith.constant 0 : i32
    %eq3A_22 = arith.cmpi eq, %arg1, %eq3A_21 : i32
    %eq3A_23 = arith.constant 1 : i32
    %eq3A_24 = arith.cmpi eq, %arg0, %eq3A_23 : i32
    %and3A_25 = arith.andi %eq3A_22, %eq3A_24 : i1
    %convert_element_type3A_26 = arith.extui %and3A_25 : i1 to i32
    %cond3A_27 = arith.constant 0 : i32
    %cond3A_28 = arith.cmpi ne, %convert_element_type3A_26, %cond3A_27 : i32
    scf.if %cond3A_28 {
      "tpu.region"() ({
        %run_scoped3A = tpu.sem_alloc : memref<!tpu.dma_semaphore, #tpu.memory_space<semaphore_mem>>
        %dma_start3A_29 = arith.constant 0 : i32
        %dma_start3A_30 = arith.constant 64 : i32
        %dma_start3A_31 = tpu.memref_slice %arg8[%dma_start3A_29, %dma_start3A_30] : memref<1024x128xf32, #tpu.memory_space<hbm>> -> memref<1024x64xf32, #tpu.memory_space<hbm>>
        tpu.enqueue_dma source(%arg17 : memref<1024x64xf32, #tpu.memory_space<vmem_shared>>) target(%dma_start3A_31 : memref<1024x64xf32, #tpu.memory_space<hbm>>) target_semaphore(%run_scoped3A : memref<!tpu.dma_semaphore, #tpu.memory_space<semaphore_mem>>)
        %dma_wait3A_32 = arith.constant 0 : i32
        %dma_wait3A_33 = arith.constant 64 : i32
        %dma_wait3A_34 = tpu.memref_slice %arg8[%dma_wait3A_32, %dma_wait3A_33] : memref<1024x128xf32, #tpu.memory_space<hbm>> -> memref<1024x64xf32, #tpu.memory_space<hbm>>
        tpu.wait_dma2 semaphore(%run_scoped3A : memref<!tpu.dma_semaphore, #tpu.memory_space<semaphore_mem>>) src(%arg17 : memref<1024x64xf32, #tpu.memory_space<vmem_shared>>) dst(%dma_wait3A_34 : memref<1024x64xf32, #tpu.memory_space<hbm>>)
        tpu.yield
      }) : () -> ()
      "tpu.region"() ({
        %run_scoped3A = tpu.sem_alloc : memref<!tpu.dma_semaphore, #tpu.memory_space<semaphore_mem>>
        %dma_start3A_29 = arith.constant 0 : i32
        %dma_start3A_30 = arith.constant 8 : i32
        %dma_start3A_31 = tpu.memref_slice %arg9[%dma_start3A_29, %dma_start3A_30] : memref<1024x128xf32, #tpu.memory_space<hbm>> -> memref<1024x8xf32, #tpu.memory_space<hbm>>
        tpu.enqueue_dma source(%arg18 : memref<1024x8xf32, #tpu.memory_space<vmem_shared>>) target(%dma_start3A_31 : memref<1024x8xf32, #tpu.memory_space<hbm>>) target_semaphore(%run_scoped3A : memref<!tpu.dma_semaphore, #tpu.memory_space<semaphore_mem>>)
        %dma_wait3A_32 = arith.constant 0 : i32
        %dma_wait3A_33 = arith.constant 8 : i32
        %dma_wait3A_34 = tpu.memref_slice %arg9[%dma_wait3A_32, %dma_wait3A_33] : memref<1024x128xf32, #tpu.memory_space<hbm>> -> memref<1024x8xf32, #tpu.memory_space<hbm>>
        tpu.wait_dma2 semaphore(%run_scoped3A : memref<!tpu.dma_semaphore, #tpu.memory_space<semaphore_mem>>) src(%arg18 : memref<1024x8xf32, #tpu.memory_space<vmem_shared>>) dst(%dma_wait3A_34 : memref<1024x8xf32, #tpu.memory_space<hbm>>)
        tpu.yield
      }) : () -> ()
    } else {
    }
    return
  }
}

module attributes {stable_mosaic.version = 14 : i64} {
  func.func @_stage_a(%arg0: i32, %arg1: memref<4096x64xf32, #tpu.memory_space<vmem>>, %arg2: memref<64x1024xf32, #tpu.memory_space<vmem>>, %arg3: memref<1x1x4096xi32, #tpu.memory_space<vmem>>) attributes {dimension_semantics = [#tpu.dimension_semantics<arbitrary>], iteration_bounds = array<i64: 8>, scalar_prefetch = 0 : i64, scratch_operands = 0 : i64, tpu.core_type = #tpu.core_type<tc>, window_params = [{transform_indices = @transform_0, window_bounds = array<i64: 4096, 64>}, {pipeline_mode = #tpu.pipeline_mode<synchronous>, transform_indices = @transform_1, window_bounds = array<i64: 64, 1024>}, {transform_indices = @transform_2, window_bounds = array<i64: 1, 1, 4096>}]} {
    %get3A = arith.constant 0 : index
    %get3A_0 = arith.constant 0 : index
    %get3A_1 = vector.load %arg1[%get3A, %get3A_0] : memref<4096x64xf32, #tpu.memory_space<vmem>>, vector<4096x64xf32>
    %get3A_2 = arith.constant 0 : index
    %get3A_3 = arith.constant 0 : index
    %get3A_4 = vector.load %arg2[%get3A_2, %get3A_3] : memref<64x1024xf32, #tpu.memory_space<vmem>>, vector<64x1024xf32>
    %mul3A = arith.mulf %get3A_4, %get3A_4 : vector<64x1024xf32>
    %reduce_sum3A = arith.constant dense<0.000000e+00> : vector<1024xf32>
    %reduce_sum3A_5 = vector.multi_reduction <add>, %mul3A, %reduce_sum3A [0] : vector<64x1024xf32> to vector<1024xf32>
    %broadcast_in_dim3A = vector.shape_cast %reduce_sum3A_5 : vector<1024xf32> to vector<1x1024xf32>
    %mul3A_6 = arith.constant 2.500000e-01 : f32
    %mul3A_7 = vector.broadcast %mul3A_6 : f32 to vector<1x1024xf32>
    %mul3A_8 = arith.mulf %mul3A_7, %broadcast_in_dim3A : vector<1x1024xf32>
    %mul3A_9 = arith.mulf %get3A_1, %get3A_1 : vector<4096x64xf32>
    %reduce_sum3A_10 = arith.constant dense<0.000000e+00> : vector<4096xf32>
    %reduce_sum3A_11 = vector.multi_reduction <add>, %mul3A_9, %reduce_sum3A_10 [1] : vector<4096x64xf32> to vector<4096xf32>
    %broadcast_in_dim3A_12 = vector.shape_cast %reduce_sum3A_11 : vector<4096xf32> to vector<4096x1xf32>
    %dot_general3A = arith.constant dense<0.000000e+00> : vector<4096x1024xf32>
    %dot_general3A_13 = tpu.matmul %get3A_1, %get3A_4, %dot_general3A {dimension_numbers = #tpu.dot_dimension_numbers<[1], [0], [0], [1], [0, 0, 1, 1], [], []>, transpose_lhs_hint = false} : vector<4096x64xf32>, vector<64x1024xf32>, vector<4096x1024xf32> -> vector<4096x1024xf32>
    %sub3A = vector.broadcast %broadcast_in_dim3A_12 : vector<4096x1xf32> to vector<4096x1024xf32>
    %sub3A_14 = arith.subf %sub3A, %dot_general3A_13 : vector<4096x1024xf32>
    %add3A = vector.broadcast %mul3A_8 : vector<1x1024xf32> to vector<4096x1024xf32>
    %add3A_15 = arith.addf %sub3A_14, %add3A : vector<4096x1024xf32>
    %argmin3A = tpu.reduce_index %add3A_15 {axis = 1 : i32, kind = #tpu.reduction_kind<arg_min>} : vector<4096x1024xf32> -> vector<4096xi32>
    %reshape3A = vector.shape_cast %argmin3A : vector<4096xi32> to vector<4096x1xi32>
    %transpose3A = tpu.transpose %reshape3A, [1, 0] : vector<4096x1xi32> -> vector<1x4096xi32>
    %reshape3A_16 = vector.shape_cast %transpose3A : vector<1x4096xi32> to vector<1x1x4096xi32>
    %swap3A = arith.constant 0 : index
    %swap3A_17 = arith.constant 0 : index
    %swap3A_18 = arith.constant 0 : index
    %swap3A_19 = vector.load %arg3[%swap3A, %swap3A_17, %swap3A_18] : memref<1x1x4096xi32, #tpu.memory_space<vmem>>, vector<1x1x4096xi32>
    tpu.vector_store %arg3[%swap3A, %swap3A_17, %swap3A_18], %reshape3A_16 {strides = array<i32>} : memref<1x1x4096xi32, #tpu.memory_space<vmem>>, vector<1x1x4096xi32>,
    return
  }
  func.func @transform_0(%arg0: i32) -> (i32, i32) {
    %c0_i32 = arith.constant 0 : i32
    %c0_i32_0 = arith.constant 0 : i32
    return %arg0, %c0_i32 : i32, i32
  }
  func.func @transform_1(%arg0: i32) -> (i32, i32) {
    %c0_i32 = arith.constant 0 : i32
    %c0_i32_0 = arith.constant 0 : i32
    %c0_i32_1 = arith.constant 0 : i32
    return %c0_i32, %c0_i32_0 : i32, i32
  }
  func.func @transform_2(%arg0: i32) -> (i32, i32, i32) {
    %c0_i32 = arith.constant 0 : i32
    %c0_i32_0 = arith.constant 0 : i32
    %c0_i32_1 = arith.constant 0 : i32
    return %arg0, %c0_i32, %c0_i32_0 : i32, i32, i32
  }
}

module attributes {stable_mosaic.version = 14 : i64} {
  func.func @_stage_b(%arg0: memref<1024x128xf32, #tpu.memory_space<vmem>>, %arg1: memref<1024x128xf32, #tpu.memory_space<vmem>>, %arg2: memref<1024x1xf32, #tpu.memory_space<vmem>>, %arg3: memref<1024x64xf32, #tpu.memory_space<vmem>>, %arg4: memref<1024x64xf32, #tpu.memory_space<vmem>>, %arg5: memref<1024x128xf32, #tpu.memory_space<vmem>>, %arg6: memref<1x1xf32, #tpu.memory_space<vmem>>, %arg7: memref<1024x192xf32, #tpu.memory_space<vmem>>) attributes {dimension_semantics = [], scalar_prefetch = 0 : i64, scratch_operands = 0 : i64, tpu.core_type = #tpu.core_type<tc>} {
    %get3A = arith.constant 0 : index
    %get3A_0 = arith.constant 0 : index
    %get3A_1 = vector.load %arg0[%get3A, %get3A_0] : memref<1024x128xf32, #tpu.memory_space<vmem>>, vector<1024x64xf32>
    %get3A_2 = arith.constant 0 : index
    %get3A_3 = arith.constant 64 : index
    %get3A_4 = vector.load %arg0[%get3A_2, %get3A_3] : memref<1024x128xf32, #tpu.memory_space<vmem>>, vector<1024x64xf32>
    %add3A = arith.addf %get3A_1, %get3A_4 : vector<1024x64xf32>
    %get3A_5 = arith.constant 0 : index
    %get3A_6 = arith.constant 0 : index
    %get3A_7 = vector.load %arg1[%get3A_5, %get3A_6] : memref<1024x128xf32, #tpu.memory_space<vmem>>, vector<1024x1xf32>
    %get3A_8 = arith.constant 0 : index
    %get3A_9 = arith.constant 8 : index
    %get3A_10 = vector.load %arg1[%get3A_8, %get3A_9] : memref<1024x128xf32, #tpu.memory_space<vmem>>, vector<1024x1xf32>
    %add3A_11 = arith.addf %get3A_7, %get3A_10 : vector<1024x1xf32>
    %get3A_12 = arith.constant 0 : index
    %get3A_13 = arith.constant 0 : index
    %get3A_14 = vector.load %arg2[%get3A_12, %get3A_13] : memref<1024x1xf32, #tpu.memory_space<vmem>>, vector<1024x1xf32>
    %sub3A = arith.subf %add3A_11, %get3A_14 : vector<1024x1xf32>
    %mul3A = arith.constant 0.00999999977 : f32
    %mul3A_15 = vector.broadcast %mul3A : f32 to vector<1024x1xf32>
    %mul3A_16 = arith.mulf %mul3A_15, %sub3A : vector<1024x1xf32>
    %add3A_17 = arith.addf %get3A_14, %mul3A_16 : vector<1024x1xf32>
    %ge3A = arith.constant 1.000000e+00 : f32
    %ge3A_18 = vector.broadcast %ge3A : f32 to vector<1024x1xf32>
    %ge3A_19 = arith.cmpf oge, %add3A_17, %ge3A_18 : vector<1024x1xf32>
    %convert_element_type3A = arith.extui %ge3A_19 : vector<1024x1xi1> to vector<1024x1xi32>
    %convert_element_type3A_20 = arith.sitofp %convert_element_type3A : vector<1024x1xi32> to vector<1024x1xf32>
    %mul3A_21 = arith.mulf %add3A_17, %convert_element_type3A_20 : vector<1024x1xf32>
    %sub3A_22 = arith.constant 1.000000e+00 : f32
    %sub3A_23 = vector.broadcast %sub3A_22 : f32 to vector<1024x1xf32>
    %sub3A_24 = arith.subf %sub3A_23, %convert_element_type3A_20 : vector<1024x1xf32>
    %add3A_25 = arith.addf %mul3A_21, %sub3A_24 : vector<1024x1xf32>
    %get3A_26 = arith.constant 0 : index
    %get3A_27 = arith.constant 0 : index
    %get3A_28 = vector.load %arg3[%get3A_26, %get3A_27] : memref<1024x64xf32, #tpu.memory_space<vmem>>, vector<1024x64xf32>
    %get3A_29 = arith.constant 0 : index
    %get3A_30 = arith.constant 0 : index
    %get3A_31 = vector.load %arg3[%get3A_29, %get3A_30] : memref<1024x64xf32, #tpu.memory_space<vmem>>, vector<1024x64xf32>
    %sub3A_32 = arith.subf %add3A, %get3A_31 : vector<1024x64xf32>
    %mul3A_33 = arith.constant 0.00999999977 : f32
    %mul3A_34 = vector.broadcast %mul3A_33 : f32 to vector<1024x64xf32>
    %mul3A_35 = arith.mulf %mul3A_34, %sub3A_32 : vector<1024x64xf32>
    %add3A_36 = arith.addf %get3A_28, %mul3A_35 : vector<1024x64xf32>
    %div3A = vector.broadcast %add3A_25 : vector<1024x1xf32> to vector<1024x64xf32>
    %div3A_37 = arith.divf %add3A_36, %div3A : vector<1024x64xf32>
    %mul3A_38 = vector.broadcast %convert_element_type3A_20 : vector<1024x1xf32> to vector<1024x64xf32>
    %mul3A_39 = arith.mulf %mul3A_38, %div3A_37 : vector<1024x64xf32>
    %sub3A_40 = arith.constant 1.000000e+00 : f32
    %sub3A_41 = vector.broadcast %sub3A_40 : f32 to vector<1024x1xf32>
    %sub3A_42 = arith.subf %sub3A_41, %convert_element_type3A_20 : vector<1024x1xf32>
    %get3A_43 = arith.constant 0 : index
    %get3A_44 = arith.constant 0 : index
    %get3A_45 = vector.load %arg5[%get3A_43, %get3A_44] : memref<1024x128xf32, #tpu.memory_space<vmem>>, vector<1024x64xf32>
    %mul3A_46 = vector.broadcast %sub3A_42 : vector<1024x1xf32> to vector<1024x64xf32>
    %mul3A_47 = arith.mulf %mul3A_46, %get3A_45 : vector<1024x64xf32>
    %add3A_48 = arith.addf %mul3A_39, %mul3A_47 : vector<1024x64xf32>
    %get3A_49 = arith.constant 0 : index
    %get3A_50 = arith.constant 0 : index
    %get3A_51 = vector.load %arg6[%get3A_49, %get3A_50] : memref<1x1xf32, #tpu.memory_space<vmem>>, vector<1x1xf32>
    %get3A_52 = vector.extract %get3A_51[0, 0] : f32 from vector<1x1xf32>
    %gt3A = arith.constant 0.000000e+00 : f32
    %gt3A_53 = arith.cmpf ogt, %get3A_52, %gt3A : f32
    %get3A_54 = arith.constant 0 : index
    %get3A_55 = arith.constant 0 : index
    %get3A_56 = vector.load %arg4[%get3A_54, %get3A_55] : memref<1024x64xf32, #tpu.memory_space<vmem>>, vector<1024x64xf32>
    %select_n3A = arith.select %gt3A_53, %add3A_48, %get3A_56 : vector<1024x64xf32>
    %convert_element_type3A_57 = arith.truncf %select_n3A : vector<1024x64xf32> to vector<1024x64xbf16>
    %convert_element_type3A_58 = arith.extf %convert_element_type3A_57 : vector<1024x64xbf16> to vector<1024x64xf32>
    %sub3A_59 = arith.subf %select_n3A, %convert_element_type3A_58 : vector<1024x64xf32>
    %convert_element_type3A_60 = arith.truncf %sub3A_59 : vector<1024x64xf32> to vector<1024x64xbf16>
    %convert_element_type3A_61 = arith.extf %convert_element_type3A_60 : vector<1024x64xbf16> to vector<1024x64xf32>
    %sub3A_62 = arith.subf %sub3A_59, %convert_element_type3A_61 : vector<1024x64xf32>
    %concatenate3A = tpu.concatenate %convert_element_type3A_58, %convert_element_type3A_61, %sub3A_62 in 1 : vector<1024x64xf32>, vector<1024x64xf32>, vector<1024x64xf32> -> vector<1024x192xf32>
    %swap3A = arith.constant 0 : index
    %swap3A_63 = arith.constant 0 : index
    %swap3A_64 = vector.load %arg7[%swap3A, %swap3A_63] : memref<1024x192xf32, #tpu.memory_space<vmem>>, vector<1024x192xf32>
    tpu.vector_store %arg7[%swap3A, %swap3A_63], %concatenate3A {strides = array<i32>} : memref<1024x192xf32, #tpu.memory_space<vmem>>, vector<1024x192xf32>,
    return
  }
}

module attributes {stable_mosaic.version = 14 : i64} {
  func.func @_stage_c(%arg0: i32, %arg1: memref<1x1x4096xi32, #tpu.memory_space<vmem>>, %arg2: memref<1024x192xf32, #tpu.memory_space<vmem>>, %arg3: memref<4096x64xf32, #tpu.memory_space<vmem>>) attributes {dimension_semantics = [#tpu.dimension_semantics<arbitrary>], iteration_bounds = array<i64: 8>, scalar_prefetch = 0 : i64, scratch_operands = 0 : i64, tpu.core_type = #tpu.core_type<tc>, window_params = [{transform_indices = @transform_0, window_bounds = array<i64: 1, 1, 4096>}, {pipeline_mode = #tpu.pipeline_mode<synchronous>, transform_indices = @transform_1, window_bounds = array<i64: 1024, 192>}, {transform_indices = @transform_2, window_bounds = array<i64: 4096, 64>}]} {
    %get3A = arith.constant 0 : index
    %get3A_0 = arith.constant 0 : index
    %get3A_1 = arith.constant 0 : index
    %get3A_2 = vector.load %arg1[%get3A, %get3A_0, %get3A_1] : memref<1x1x4096xi32, #tpu.memory_space<vmem>>, vector<1x1x4096xi32>
    %reshape3A = vector.shape_cast %get3A_2 : vector<1x1x4096xi32> to vector<1x4096xi32>
    %transpose3A = tpu.transpose %reshape3A, [1, 0] : vector<1x4096xi32> -> vector<4096x1xi32>
    %iota3A = tpu.iota {dimensions = array<i32: 1>} : vector<4096x1024xi32>
    %eq3A = vector.broadcast %transpose3A : vector<4096x1xi32> to vector<4096x1024xi32>
    %eq3A_3 = arith.cmpi eq, %iota3A, %eq3A : vector<4096x1024xi32>
    %convert_element_type3A = arith.extui %eq3A_3 : vector<4096x1024xi1> to vector<4096x1024xi32>
    %convert_element_type3A_4 = arith.sitofp %convert_element_type3A : vector<4096x1024xi32> to vector<4096x1024xf32>
    %get3A_5 = arith.constant 0 : index
    %get3A_6 = arith.constant 0 : index
    %get3A_7 = vector.load %arg2[%get3A_5, %get3A_6] : memref<1024x192xf32, #tpu.memory_space<vmem>>, vector<1024x192xf32>
    %dot_general3A = arith.constant dense<0.000000e+00> : vector<4096x192xf32>
    %dot_general3A_8 = tpu.matmul %convert_element_type3A_4, %get3A_7, %dot_general3A {dimension_numbers = #tpu.dot_dimension_numbers<[1], [0], [0], [1], [0, 0, 1, 1], [], []>, transpose_lhs_hint = false} : vector<4096x1024xf32>, vector<1024x192xf32>, vector<4096x192xf32> -> vector<4096x192xf32>
    %slice3A = vector.extract_strided_slice %dot_general3A_8 {offsets = [0, 0], sizes = [4096, 64], strides = [1, 1]} : vector<4096x192xf32> to vector<4096x64xf32>
    %slice3A_9 = vector.extract_strided_slice %dot_general3A_8 {offsets = [0, 64], sizes = [4096, 64], strides = [1, 1]} : vector<4096x192xf32> to vector<4096x64xf32>
    %add3A = arith.addf %slice3A, %slice3A_9 : vector<4096x64xf32>
    %slice3A_10 = vector.extract_strided_slice %dot_general3A_8 {offsets = [0, 128], sizes = [4096, 64], strides = [1, 1]} : vector<4096x192xf32> to vector<4096x64xf32>
    %add3A_11 = arith.addf %add3A, %slice3A_10 : vector<4096x64xf32>
    %swap3A = arith.constant 0 : index
    %swap3A_12 = arith.constant 0 : index
    %swap3A_13 = vector.load %arg3[%swap3A, %swap3A_12] : memref<4096x64xf32, #tpu.memory_space<vmem>>, vector<4096x64xf32>
    tpu.vector_store %arg3[%swap3A, %swap3A_12], %add3A_11 {strides = array<i32>} : memref<4096x64xf32, #tpu.memory_space<vmem>>, vector<4096x64xf32>,
    return
  }
  func.func @transform_0(%arg0: i32) -> (i32, i32, i32) {
    %c0_i32 = arith.constant 0 : i32
    %c0_i32_0 = arith.constant 0 : i32
    %c0_i32_1 = arith.constant 0 : i32
    return %arg0, %c0_i32, %c0_i32_0 : i32, i32, i32
  }
  func.func @transform_1(%arg0: i32) -> (i32, i32) {
    %c0_i32 = arith.constant 0 : i32
    %c0_i32_0 = arith.constant 0 : i32
    %c0_i32_1 = arith.constant 0 : i32
    return %c0_i32, %c0_i32_0 : i32, i32
  }
  func.func @transform_2(%arg0: i32) -> (i32, i32) {
    %c0_i32 = arith.constant 0 : i32
    %c0_i32_0 = arith.constant 0 : i32
    return %arg0, %c0_i32 : i32, i32
  }
}

</mosaic_0001>

<sc_bundles>
// kernel: kernel.6.cloned.1.call-start
scs
__scs_entry_jumppad:
0x0: {  	(pc) =	sbr.rel $0x88, $3  }
0x1: {  	(tag) =	ssettag $0x0;
	lr =	simm.s32 $0x1  }
0x2: {  	[smem:$0x3F9C] =	sst lr;
	_ =	strace $0xD0000000  }
0x3: {  	_ = 	snop  }
0x4: {  	_ = 	snop  }
0x5: {  	_ = 	snop  }
0x6: {  	_ = 	snop  }
0x7: {  	_ = 	snop  }
__scs_overlays_trampoline_lowered:
0x8: {  	[smem:$0x3FAB] =	sst s0  }
0x9: {  	[smem:$0x3FAC] =	sst s1  }
0xa: {  	[smem:$0x3FAD] =	sst s2  }
0xb: {  	[smem:$0x3FAE] =	sst s3  }
0xc: {  	[smem:$0x3FAF] =	sst s4  }
0xd: {  	[smem:$0x3FB0] =	sst s5  }
0xe: {  	[smem:$0x3FB1] =	sst s6  }
0xf: {  	[smem:$0x3FB2] =	sst s7  }
0x10: {  	[smem:$0x3FB3] =	sst s8  }
0x11: {  	[smem:$0x3FB4] =	sst s9;
	s0 =	simm.s32 @!p0 $0x0  }
0x12: {  	s1 =	sld [smem:$0x3F9A];
	s0 =	simm.s32 @p0 $0x1  }
0x13: {  	[smem:$0x3FB5] =	sst s0;
	s0 =	simm.s32 @!p1 $0x0  }
0x14: {  	s2 =	sld [smem:$0x3F99];
	s0 =	simm.s32 @p1 $0x1  }
0x15: {  	[smem:$0x3FB6] =	sst s0;
	s0 =	simm.s32 @!p2 $0x0  }
0x16: {  	s3 =	sld [smem:$0x3FDB];
	s0 =	simm.s32 @p2 $0x1  }
0x17: {  	s4 =	simm.s32 $0x1BF5;
	[smem:$0x3FB8] =	sst s0  }
0x18: {  	s0 =	sld [smem:$0x3F9B];
	_ =	swait.ge [sflag:s4], $0x0  }
0x19: {  	s7 =	sld [smem:$0x3F9C]  }
0x1a: {  	s8 =	sadd.s32 $0xFFFFE003, lr  }
0x1b: {  	s9 =	sadd.s32 $0xFFFFFEF7, lr;
	s5 =	simm.s32 $0xFFFFFFFF;
	p2 =	slt.u32 s8, $0xFFFFF086  }
0x1c: {  	p1 =	slt.u32 s9, $0xF7A;
	s5 =	simm.s32 @!p2 $0x0  }
0x1d: {  	s5 =	simm.s32 @p1 $0x1;
	p0 =	seq.s32 s7, s2  }
0x1e: {  	s7 =	smul.u32 @!p0 $0xF7A, s2;
	p2 =	seq.s32 @!p0 s5, $0x0  }
0x1f: {  	s9 =	smul.u32 $0xF7A, s1;
	s8 =	simm.s32 @!p0 $0x1BF5;
	p2 =	por !p2, p0  }
0x20: {  	[sflag:s8] =	ssyncset.s32 @!p0 $0xFFFFF086;
	s6 =	sadd.s32 @!p0 s3, s7;
	s7 =	simm.s32 @!p0 $0x108  }
0x21: {  	s3 =	sadd.s32 s3, s9;
	s6 =	sadd.s32 @!p0 $0x88, s6;
	s7 =	simm.s32 @p2 $0x1082  }
0x22: {  	[simem:s7], [sflag:s8] =	dma.local @!p0 [hbm:s6], $0xF7A  }
0x23: {  	s9 =	sor.u32 $0xD0000000, s2;
	s6 =	simm.s32 $0x108;
	_ =	swait.ge @!p0 [sflag:s8], $0x0  }
0x24: {  	s3 =	sadd.s32 $0x88, s3;
	s6 =	simm.s32 @!p1 $0x1082;
	[sflag:s4] =	ssyncset.s32 $0xFFFFF086  }
0x25: {  	[simem:s6], [sflag:s4] =	dma.local [hbm:s3], $0xF7A  }
0x26: {  	[smem:$0x3F9C] =	sst s1;
	(tag) =	ssettag s2;
	_ =	strace s9  }
0x27: {  	s1 =	sld [smem:$0x3FAC]  }
0x28: {  	s2 =	sld [smem:$0x3FAD]  }
0x29: {  	s4 =	sld [smem:$0x3FAF]  }
0x2a: {  	p0 =	seq.s32 s5, $0x0;
	s5 =	sld [smem:$0x3FB0]  }
0x2b: {  	s6 =	sld [smem:$0x3FB1]  }
0x2c: {  	s7 =	sld [smem:$0x3FB2]  }
0x2d: {  	s3 =	simm.s32 $0x108;
	s8 =	sld [smem:$0x3FB3]  }
0x2e: {  	s3 =	simm.s32 @!p0 $0x1082;
	s9 =	sld [smem:$0x3FB4]  }
0x2f: {  	lr =	sadd.s32 s0, s3;
	s0 =	sld [smem:$0x3FAB]  }
0x30: {  	s3 =	sld [smem:$0x3FAE]  }
0x31: {  	[smem:$0x3FB7] =	sst s10  }
0x32: {  	s10 =	sld [smem:$0x3FB5];
	_ =	sdelay $0x3  }
0x33: {  	p0 =	seq.s32 s10, $0x1;
	s10 =	sld [smem:$0x3FB7];
	_ =	sdelay $0x3  }
0x34: {  	[smem:$0x3FB7] =	sst s10  }
0x35: {  	s10 =	sld [smem:$0x3FB6];
	_ =	sdelay $0x3  }
0x36: {  	p1 =	seq.s32 s10, $0x1;
	s10 =	sld [smem:$0x3FB7];
	_ =	sdelay $0x3  }
0x37: {  	[smem:$0x3FB7] =	sst s10  }
0x38: {  	s10 =	sld [smem:$0x3FB8]  }
0x39: {  	_ = 	snop;
	(pc) =	sbr.ind lr, $3  }
0x3a: {  	_ = 	snop  }
0x3b: {  	_ = 	snop  }
0x3c: {  	p2 =	seq.s32 s10, $0x1;
	s10 =	sld [smem:$0x3FB7]  }
0x3d: {  	_ =	shalt  }
0x3e: {  	_ =	shalt  }
0x3f: {  	_ =	shalt  }
0x40: {  	_ =	shalt  }
0x41: {  	_ =	shalt  }
0x42: {  	_ =	shalt  }
0x43: {  	_ =	shalt  }
0x44: {  	_ =	shalt  }
0x45: {  	_ =	shalt  }
0x46: {  	_ =	shalt  }
0x47: {  	_ =	shalt  }
0x48: {  	_ =	shalt  }
0x49: {  	_ =	shalt  }
0x4a: {  	_ =	shalt  }
0x4b: {  	_ =	shalt  }
0x4c: {  	_ =	shalt  }
0x4d: {  	_ =	shalt  }
0x4e: {  	_ =	shalt  }
0x4f: {  	_ =	shalt  }
0x50: {  	_ =	shalt  }
0x51: {  	_ =	shalt  }
0x52: {  	_ =	shalt  }
0x53: {  	_ =	shalt  }
0x54: {  	_ =	shalt  }
0x55: {  	_ =	shalt  }
0x56: {  	_ =	shalt  }
0x57: {  	_ =	shalt  }
0x58: {  	_ =	shalt  }
0x59: {  	_ =	shalt  }
0x5a: {  	_ =	shalt  }
0x5b: {  	_ =	shalt  }
0x5c: {  	_ =	shalt  }
0x5d: {  	_ =	shalt  }
0x5e: {  	_ =	shalt  }
0x5f: {  	_ =	shalt  }
0x60: {  	_ =	shalt  }
0x61: {  	_ =	shalt  }
0x62: {  	_ =	shalt  }
0x63: {  	_ =	shalt  }
0x64: {  	_ =	shalt  }
0x65: {  	_ =	shalt  }
0x66: {  	_ =	shalt  }
0x67: {  	_ =	shalt  }
0x68: {  	_ =	shalt  }
0x69: {  	_ =	shalt  }
0x6a: {  	_ =	shalt  }
0x6b: {  	_ =	shalt  }
0x6c: {  	_ =	shalt  }
0x6d: {  	_ =	shalt  }
0x6e: {  	_ =	shalt  }
0x6f: {  	_ =	shalt  }
0x70: {  	_ =	shalt  }
0x71: {  	_ =	shalt  }
0x72: {  	_ =	shalt  }
0x73: {  	_ =	shalt  }
0x74: {  	_ =	shalt  }
0x75: {  	_ =	shalt  }
0x76: {  	_ =	shalt  }
0x77: {  	_ =	shalt  }
0x78: {  	_ =	shalt  }
0x79: {  	_ =	shalt  }
0x7a: {  	_ =	shalt  }
0x7b: {  	_ =	shalt  }
0x7c: {  	_ =	shalt  }
0x7d: {  	_ =	shalt  }
0x7e: {  	_ =	shalt  }
0x7f: {  	_ =	shalt  }
0x80: {  	_ =	shalt  }
0x81: {  	_ =	shalt  }
0x82: {  	_ =	shalt  }
0x83: {  	_ =	shalt  }
0x84: {  	_ =	shalt  }
0x85: {  	_ =	shalt  }
0x86: {  	_ =	shalt  }
0x87: {  	_ =	shalt  }
.Lfunc_end0:
.L_simem_size_0:
called_computation_lowered:
.L_overlay_start_0:
0x88: {  	s2 =	sld [smem:$0x3FD9]  }
0x89: {  	s3 =	sld [smem:$0x3FFE];
	_ =	sdelay $0x1  }
0x8a: {  	s1 =	srdreg.scid  }
0x8b: {  	s0 =	sand.u32 $0x1, s1  }
0x8c: {  	s17 =	sshll.u32 s0, $0xA;
	s2 =	sadd.s32 s3, s2  }
0x8d: {  	s2 =	sadd.s32 s2, s17  }
0x8e: {  	[smem:$0x3FC3] =	sst s2  }
0x8f: {  	_ = 	snop  }
0x90: {  	s2 =	sld [smem:$0x3FD0];
	(tm) =	ssettm $0x1  }
0x91: {  	s18 =	sld [smem:$0x3FFB];
	_ =	sdelay $0x3  }
0x92: {  	_ =	strace s18  }
0x93: {  	s3 =	sld [smem:$0x3FFC];
	_ =	sdelay $0x3  }
0x94: {  	_ =	strace s3  }
0x95: {  	s3 =	sld [smem:$0x3FFD];
	_ =	sdelay $0x3  }
0x96: {  	_ =	strace s3  }
0x97: {  	_ =	strace $0x8FFFFFFF  }
0x98: {  	s19 =	sld [smem:$0x3FDB];
	_ =	sdelay $0x1  }
0x99: {  	s4 =	simm.s32 $_scs_section_size  }
0x9a: {  	s5 =	simm.s32 $_size__tile_overlayer_lowered;
	s6 =	simm.s32 $_tile_overlayer_lowered  }
0x9b: {  	s22 =	simm.s32 $0x1BFF;
	s21 =	sshll.u32 s6, $0x1;
	s3 =	sadd.s32 s4, s19  }
0x9c: {  	s7 =	simm.s32 $0x0;
	s20 =	sshll.u32 s5, $0x1;
	s5 =	sadd.s32 s21, s3  }
0x9d: {  	[timem:s7], [sflag:s22] =	dma.local [hbm:s5], s20  }
0x9e: {  	_ =	swait.ge [sflag:s22], s20  }
0x9f: {  	s4 =	ssub.s32 $0x0, s20;
	[sflag:s22] =	ssyncset.done $0x0  }
0xa0: {  	[sflag:s22] =	ssyncadd.s32 s4;
	_ =	sdelay $0x1  }
0xa1: {  	s23 =	simm.s32 $0x1B8B  }
0xa2: {  	_ =	swait.ge [sflag:s23], $0x1  }
0xa3: {  	[sflag:s23] =	ssyncset.done $0x0  }
0xa4: {  	s25 =	simm.s32 $0x1B8E;
	s24 =	sld [smem:$0x3FFE];
	[sflag:s23] =	ssyncadd.s32 $0xFFFFFFFF  }
0xa5: {  	s26 =	simm.s32 $execute0_lowered;
	[smem:$0x3FD2] =	sst s25  }
0xa6: {  	s5 =	sshll.u32 s26, $0x1;
	_ =	strace $0x80000046;
	[dreg:$0x1] =	wrdreg $0xFFFFFFFF  }
0xa7: {  	s28 =	simm.s32 $_size_execute0_lowered;
	s3 =	sadd.s32 s3, s5;
	[dreg:$0x0] =	wrdreg $0x0  }
0xa8: {  	s5 =	sshll.u32 s28, $0x1;
	[dreg:$0x2] =	wrdreg s3  }
0xa9: {  	[dreg:$0x3] =	wrdreg s5  }
0xaa: {  	[dreg:$0x4] =	wrdreg $0xC0  }
0xab: {  	_ =	task [dreg:s7], $0x5FFFF  }
0xac: {  	[dreg:$0x1] =	wrdreg $0xFFFFFFFF  }
0xad: {  	[dreg:$0x0] =	wrdreg $0x60  }
0xae: {  	[dreg:$0x2] =	wrdreg s2  }
0xaf: {  	[dreg:$0x3] =	wrdreg s24  }
0xb0: {  	[dreg:$0x4] =	wrdreg $0x12C200  }
0xb1: {  	[dreg:$0x5] =	wrdreg $0x13C200  }
0xb2: {  	[dreg:$0x6] =	wrdreg $0x9  }
0xb3: {  	_ =	task.clear_ibuf [dreg:s7], $0x7FFFF;
	_ =	strace $0x90000046  }
0xb4: {  	s29 =	simm.s32 $0x9;
	_ =	strace $0x80000048  }
0xb5: {  	_ =	swait.ge [sflag:s29], $0x1  }
0xb6: {  	[sflag:s29] =	ssyncadd.s32 $0xFFFFFFFF  }
0xb7: {  	_ =	strace $0x90000048  }
0xb8: {  	_ =	sfence  }
0xb9: {  	s30 =	sld [smem:$0x0];
	_ =	sdelay $0x2  }
0xba: {  	s31 =	sshll.u32 s1, $0xD;
	s1 =	sshrl.u32 s1, $0x2  }
0xbb: {  	s3 =	sand.u32 $0x4000, s31;
	s1 =	sadd.s32 s1, s30  }
0xbc: {  	s0 =	sor.u32 s3, s0;
	s1 =	sshll.u32 s1, $0x11  }
0xbd: {  	s0 =	sor.u32 s1, s0  }
0xbe: {  	s0 =	sadd.s32 $0x8F2B, s0  }
0xbf: {  	[sflag:s0] =	ssyncadd.remote.s32 $0x1  }
0xc0: {  	_ =	sfence.sel $0xFFFF  }
0xc1: {  	[dreg:$0x0] =	wrdreg $0xFFFFFFFF;
	(pc) =	sbr.abs _section_cstart, $3  }
0xc2: {  	[dreg:$0x1] =	wrdreg $0xFFFFFFFF  }
0xc3: {  	_ =	task.clear_ibuf [dreg:s7], $0x2FFFF;
	_ =	strace $0x9FFFFFFF  }
0xc4: {  	(tm) =	ssettm $0x7FFFFFFF  }
0xc5: {  	_ =	shalt  }
tec
execute0_lowered:
.L_overlay_start_1:
0x0: {  	(tag) =	ssettag $0x1  }
0x1: {  	s4 =	rddreg [dreg:$0x0]  }
0x2: {  	s0 =	rddreg [dreg:$0x1]  }
0x3: {  	s15 =	rddreg [dreg:$0x2]  }
0x4: {  	s13 =	rddreg [dreg:$0x3]  }
0x5: {  	s20 =	rddreg [dreg:$0x4];
	s2 =	simm.s32 $0x0  }
0x6: {  	s1 =	srdreg.scid;
	s5 =	stileid.u32;
	s17 =	simm.s32 $0x400  }
0x7: {  	s18 =	simm.s32 $0x10400;
	s14 =	simm.s32 $0x12400;
	s12 =	simm.s32 $0x1  }
0x8: {  	s16 =	simm.s32 $0x40;
	p3 =	por $0x0, $0x0;
	[smem:$0x7FF] =	sst s2  }
0x9: {  	s1 =	sand.u32 $0x1, s1;
	s6 =	sshll.u32 s5, $0x1;
	s7 =	sadd.s32 $0x3400, s0  }
0xa: {  	s19 =	sadd.s32 $0x5400, s0;
	_ =	strace $0x80000047;
	[dreg:$0x5] =	wrdreg s7  }
0xb: {  	s21 =	sadd.s32 $0x5800, s0;
	s22 =	sadd.s32 $0x5C00, s0;
	[dreg:$0x6] =	wrdreg s19  }
0xc: {  	s23 =	sadd.s32 $0x9C00, s0;
	p0 =	seq.s32 s5, $0x0;
	[dreg:$0x7] =	wrdreg s21  }
0xd: {  	s30 =	sadd.s32 $0x5C08, s0;
	s6 =	sor.u32 s1, s6;
	[dreg:$0x8] =	wrdreg s22  }
0xe: {  	[dreg:$0x9] =	wrdreg s23;
	s25 =	ssub.s32 $0x2, s1;
	p1 =	seq.s32 s1, $0x1  }
0xf: {  	s1 =	sor.u32 s1, s5;
	[dreg:$0xe] =	wrdreg s30;
	s7 =	simm.s32 $0x2  }
0x10: {  	s22 =	simm.s32 $0x20;
	s23 =	simm.s32 $0x80;
	s8 =	sshll.u32 s6, $0x7  }
0x11: {  	s9 =	sshll.u32 s6, $0x2;
	s10 =	sshll.u32 s6, $0x9;
	s6 =	sshll.u32 s6, $0xD  }
0x12: {  	s11 =	sshrl.u32 s25, $0x1;
	p0 =	por !p0, !p1;
	p2 =	sne.s32 s1, $0x0  }
0x13: {  	s8 =	sadd.s32 s8, s0;
	s9 =	sadd.s32 s9, s0;
	s24 =	sadd.s32 s10, s0  }
0x14: {  	s6 =	sadd.s32 s4, s6;
	s29 =	ssub.s32 s25, s11;
	p1 =	por !p0, !p0  }
0x15: {  	s0 =	sadd.s32 $0x9C01, s0;
	p0 =	sne.s32 s5, $0x0;
	s31 =	smax.u32 s29, $0x1  }
0x16: {  	s11 =	simm.s32 $0x12420;
	[dreg:$0xb] =	wrdreg s6;
	s10 =	sadd.s32 $0xFFFFFFFF, s31  }
0x17: {  	s8 =	sadd.s32 $0x1E00, s8;
	[dreg:$0xf] =	wrdreg s0;
	p4 =	sne.s32 s10, $0x0  }
.Ltmp0:
0x18: {  	s26 =	sadd.s32 $0x3200, s9;
	[dreg:$0xa] =	wrdreg s8;
	(pc) =	sbr.rel @!p4 .LBB2_1-.Ltmp0, $4  }
0x19: {  	s25 =	sshll.u32 @!p2 s5, $0x6;
	s28 =	sadd.s32 $0xDC00, s24;
	[dreg:$0xc] =	wrdreg s26  }
0x1a: {  	s6 =	sshrl.u32 @!p0 s15, $0x3;
	s19 =	sshrl.u32 @!p0 s13, $0x3;
	[dreg:$0xd] =	wrdreg s28  }
0x1b: {  	s9 =	sshrl.u32 @!p2 s15, $0x3;
	s5 =	sshrl.u32 @p1 s13, $0x3;
	[dreg:$0x10] =	wrdreg s6  }
0x1c: {  	s8 =	sshrl.u32 @!p2 s13, $0x3;
	s6 =	sshrl.u32 @p1 s15, $0x3;
	s1 =	rddreg [dreg:$0x10]  }
0x1d: {  	s0 =	rddreg [dreg:$0x5];
	s20 =	simm.s32 @!p0 $0x1C02;
	s21 =	simm.s32 @!p0 $0x2  }
0x1e: {  	[spmem:s1], [sflag:s20] =	dma.local @!p0 [hbm:s0], $0x2000  }
0x1f: {  	_ =	swait.ge @!p0 [sflag:s21], $0x2000  }
0x20: {  	[sflag:s21] =	ssyncset.done @!p0 $0x0  }
0x21: {  	s0 =	rddreg [dreg:$0x6];
	[sflag:s21] =	ssyncadd.s32 @!p0 $0xFFFFE000  }
0x22: {  	[spmem:s19], [sflag:s20] =	dma.local @!p0 [hbm:s0], $0x400  }
0x23: {  	_ =	swait.ge @!p0 [sflag:s21], $0x400  }
0x24: {  	[sflag:s21] =	ssyncset.done @!p0 $0x0  }
0x25: {  	[sflag:s21] =	ssyncadd.s32 @!p0 $0xFFFFFC00  }
0x26: {  	[bflag:$0x0] =	sbarrier.arrive $0xFFFF  }
0x27: {  	s26 =	rddreg [dreg:$0xa]  }
0x28: {  	[tilespmem:s2], [sflag:$0x2] =	stream.linear.gather [hbm4b:s26+s2], $0x400, $0x38;
	[tilespmem:$0x13E20] =	vst v63  }
0x29: {  	_ =	swait.ge [sflag:s7], $0x400  }
0x2a: {  	[sflag:s7] =	ssyncset.done $0x0  }
0x2b: {  	s1 =	rddreg [dreg:$0xb];
	[sflag:s7] =	ssyncadd.s32 $0xFFFFFC00  }
0x2c: {  	[tilespmem:s17], [sflag:$0x2] =	stream.linear.gather [hbm4b:s1+s2], $0x10000, $0x38;
	[tilespmem:$0x13E20] =	vst v63  }
0x2d: {  	_ =	swait.ge [sflag:s7], $0x10000  }
0x2e: {  	[sflag:s7] =	ssyncset.done $0x0  }
0x2f: {  	s3 =	rddreg [dreg:$0x7];
	[sflag:s7] =	ssyncadd.s32 $0xFFFF0000  }
0x30: {  	[tilespmem:s18], [sflag:$0x2] =	stream.linear.gather [hbm4b:s3+s2], $0x2000, $0x38;
	[tilespmem:$0x13E20] =	vst v63  }
0x31: {  	_ =	swait.ge [sflag:s7], $0x2000  }
0x32: {  	[sflag:s7] =	ssyncset.done $0x0  }
0x33: {  	[sflag:s7] =	ssyncadd.s32 $0xFFFFE000  }
0x34: {  	[spmem:s15] =	stream.indirect.scatter.add.f32 [tilespmem:s17], [sflag:$0x2], $0x40, s2, s17, $0xb8;
	[tilespmem:$0x13E20] =	vst v63  }
0x35: {  	_ =	swait.ge [sflag:s7], $0x10000  }
0x36: {  	[sflag:s7] =	ssyncset.done $0x0  }
0x37: {  	[sflag:s7] =	ssyncadd.s32 $0xFFFF0000  }
0x38: {  	[spmem:s13] =	stream.indirect.scatter.add.f32 [tilespmem:s18], [sflag:$0x2], $0x8, s2, s17, $0xb8;
	[tilespmem:$0x13E20] =	vst v63  }
0x39: {  	_ =	swait.ge [sflag:s7], $0x2000  }
0x3a: {  	[sflag:s7] =	ssyncset.done $0x0  }
0x3b: {  	s24 =	rddreg [dreg:$0xc];
	[sflag:s7] =	ssyncadd.s32 $0xFFFFE000  }
0x3c: {  	[tilespmem:s14], [sflag:$0x2] =	stream.linear.gather [hbm4b:s24+s2], $0x20, $0x38;
	[tilespmem:$0x13E20] =	vst v63  }
0x3d: {  	_ =	swait.ge [sflag:s7], $0x20  }
0x3e: {  	[sflag:s7] =	ssyncset.done $0x0  }
0x3f: {  	[sflag:s7] =	ssyncadd.s32 $0xFFFFFFE0  }
0x40: {  	[tilespmem:s11], [sflag:$0x1] =	stream.indirect.gather [hbm4b:s4+s22], $0x40, s14, s22, $0xb8;
	[tilespmem:$0x13E20] =	vst v63  }
0x41: {  	_ =	swait.ge [sflag:s12], $0x800  }
0x42: {  	[sflag:s12] =	ssyncset.done $0x0  }
0x43: {  	s26 =	rddreg [dreg:$0xd];
	[sflag:s12] =	ssyncadd.s32 $0xFFFFF800  }
0x44: {  	[hbm4b:s26+s16] =	stream.strided.scatter [tilespmem:s11], [sflag:$0x2], $0x800, s23, s16, $0x38;
	[tilespmem:$0x13E20] =	vst v63  }
0x45: {  	_ =	swait.ge [sflag:s7], $0x800  }
0x46: {  	[sflag:s7] =	ssyncset.done $0x0  }
0x47: {  	[sflag:s7] =	ssyncadd.s32 $0xFFFFF800  }
0x48: {  	s24 =	simm.s32 @!p2 $0x8;
	[bflag:$0x0] =	sbarrier.arrive $0xFFFF  }
0x49: {  	s22 =	simm.s32 @!p2 $0x2;
	s23 =	simm.s32 @!p2 $0x10;
	s0 =	rddreg [dreg:$0x8]  }
0x4a: {  	s26 =	simm.s32 @!p2 $0x1;
	[dreg:$0x11] =	wrdreg s25;
	s25 =	sor.u32 @!p2 $0x1C02, s25  }
0x4b: {  	[hbm:s0@s23], [sflag:s25] =	dma.strided @!p2 [spmem:s9@s24], $0x2000, s26, $0x8   }
0x4c: {  	_ =	swait.ge @!p2 [sflag:s22], $0x2000  }
0x4d: {  	[sflag:s22] =	ssyncset.done @!p2 $0x0  }
0x4e: {  	s28 =	simm.s32 @p1 $0x2;
	s0 =	rddreg [dreg:$0x9];
	[sflag:s22] =	ssyncadd.s32 @!p2 $0xFFFFE000  }
0x4f: {  	[hbm:s0@s23], [sflag:s25] =	dma.strided @!p2 [spmem:s8@s26], $0x400, s26, $0x1   }
0x50: {  	s29 =	simm.s32 @p1 $0x8;
	s30 =	simm.s32 @p1 $0x1C02;
	_ =	swait.ge @!p2 [sflag:s22], $0x400  }
0x51: {  	s31 =	simm.s32 @p1 $0x1;
	s10 =	sadd.s32 $0xFFFFFFFF, s10;
	[sflag:s22] =	ssyncset.done @!p2 $0x0  }
0x52: {  	s0 =	simm.s32 @p1 $0x10;
	s1 =	rddreg [dreg:$0xe];
	[sflag:s22] =	ssyncadd.s32 @!p2 $0xFFFFFC00  }
0x53: {  	[hbm:s1@s0], [sflag:s30] =	dma.strided @p1 [spmem:s6@s29], $0x2000, s31, $0x8   }
0x54: {  	p4 =	sne.s32 s10, $0x0;
	_ =	swait.ge @p1 [sflag:s28], $0x2000  }
.Ltmp1:
0x55: {  	[sflag:s28] =	ssyncset.done @p1 $0x0;
	(pc) =	sbr.rel @!p4 .LBB2_3-.Ltmp1, $4  }
0x56: {  	p3 =	por $0x1, $0x1;
	s1 =	rddreg [dreg:$0xf];
	[sflag:s28] =	ssyncadd.s32 @p1 $0xFFFFE000  }
0x57: {  	[hbm:s1@s0], [sflag:s30] =	dma.strided @p1 [spmem:s5@s31], $0x400, s31, $0x1   }
0x58: {  	s15 =	simm.s32 $0x40;
	s13 =	simm.s32 $0x80;
	_ =	swait.ge @p1 [sflag:s28], $0x400  }
0x59: {  	s16 =	simm.s32 $0x20;
	s1 =	rddreg [dreg:$0x10];
	[sflag:s28] =	ssyncset.done @p1 $0x0  }
.LBB2_4:
0x5a: {  	s3 =	rddreg [dreg:$0x5];
	[sflag:s28] =	ssyncadd.s32 @p1 $0xFFFFFC00  }
0x5b: {  	[spmem:s1], [sflag:s20] =	dma.local @!p0 [hbm:s3], $0x2000  }
0x5c: {  	_ =	swait.ge @!p0 [sflag:s21], $0x2000  }
0x5d: {  	[sflag:s21] =	ssyncset.done @!p0 $0x0  }
0x5e: {  	s1 =	rddreg [dreg:$0x6];
	[sflag:s21] =	ssyncadd.s32 @!p0 $0xFFFFE000  }
0x5f: {  	[spmem:s19], [sflag:s20] =	dma.local @!p0 [hbm:s1], $0x400  }
0x60: {  	_ =	swait.ge @!p0 [sflag:s21], $0x400  }
0x61: {  	[sflag:s21] =	ssyncset.done @!p0 $0x0  }
0x62: {  	[sflag:s21] =	ssyncadd.s32 @!p0 $0xFFFFFC00  }
0x63: {  	[bflag:$0x0] =	sbarrier.arrive $0xFFFF  }
0x64: {  	s3 =	rddreg [dreg:$0xa]  }
0x65: {  	[tilespmem:s2], [sflag:$0x2] =	stream.linear.gather [hbm4b:s3+s2], $0x400, $0x38;
	[tilespmem:$0x13E20] =	vst v63  }
0x66: {  	_ =	swait.ge [sflag:s7], $0x400  }
0x67: {  	[sflag:s7] =	ssyncset.done $0x0  }
0x68: {  	s3 =	rddreg [dreg:$0xb];
	[sflag:s7] =	ssyncadd.s32 $0xFFFFFC00  }
0x69: {  	[tilespmem:s17], [sflag:$0x2] =	stream.linear.gather [hbm4b:s3+s2], $0x10000, $0x38;
	[tilespmem:$0x13E20] =	vst v63  }
0x6a: {  	_ =	swait.ge [sflag:s7], $0x10000  }
0x6b: {  	[sflag:s7] =	ssyncset.done $0x0  }
0x6c: {  	s3 =	rddreg [dreg:$0x7];
	[sflag:s7] =	ssyncadd.s32 $0xFFFF0000  }
0x6d: {  	[tilespmem:s18], [sflag:$0x2] =	stream.linear.gather [hbm4b:s3+s2], $0x2000, $0x38;
	[tilespmem:$0x13E20] =	vst v63  }
0x6e: {  	_ =	swait.ge [sflag:s7], $0x2000  }
0x6f: {  	[sflag:s7] =	ssyncset.done $0x0  }
0x70: {  	[sflag:s7] =	ssyncadd.s32 $0xFFFFE000  }
0x71: {  	s3 =	rddreg [dreg:$0x2]  }
0x72: {  	[spmem:s3] =	stream.indirect.scatter.add.f32 [tilespmem:s17], [sflag:$0x2], $0x40, s2, s17, $0xb8;
	[tilespmem:$0x13E20] =	vst v63  }
0x73: {  	_ =	swait.ge [sflag:s7], $0x10000  }
0x74: {  	[sflag:s7] =	ssyncset.done $0x0  }
0x75: {  	[sflag:s7] =	ssyncadd.s32 $0xFFFF0000  }
0x76: {  	s3 =	rddreg [dreg:$0x3]  }
0x77: {  	[spmem:s3] =	stream.indirect.scatter.add.f32 [tilespmem:s18], [sflag:$0x2], $0x8, s2, s17, $0xb8;
	[tilespmem:$0x13E20] =	vst v63  }
0x78: {  	_ =	swait.ge [sflag:s7], $0x2000  }
0x79: {  	[sflag:s7] =	ssyncset.done $0x0  }
0x7a: {  	s3 =	rddreg [dreg:$0xc];
	[sflag:s7] =	ssyncadd.s32 $0xFFFFE000  }
0x7b: {  	[tilespmem:s14], [sflag:$0x2] =	stream.linear.gather [hbm4b:s3+s2], $0x20, $0x38;
	[tilespmem:$0x13E20] =	vst v63  }
0x7c: {  	_ =	swait.ge [sflag:s7], $0x20  }
0x7d: {  	[sflag:s7] =	ssyncset.done $0x0  }
0x7e: {  	[sflag:s7] =	ssyncadd.s32 $0xFFFFFFE0  }
0x7f: {  	[tilespmem:s11], [sflag:$0x1] =	stream.indirect.gather [hbm4b:s4+s16], $0x40, s14, s16, $0xb8;
	[tilespmem:$0x13E20] =	vst v63  }
0x80: {  	_ =	swait.ge [sflag:s12], $0x800  }
0x81: {  	[sflag:s12] =	ssyncset.done $0x0  }
0x82: {  	s3 =	rddreg [dreg:$0xd];
	[sflag:s12] =	ssyncadd.s32 $0xFFFFF800  }
0x83: {  	[hbm4b:s3+s15] =	stream.strided.scatter [tilespmem:s11], [sflag:$0x2], $0x800, s13, s15, $0x38;
	[tilespmem:$0x13E20] =	vst v63  }
0x84: {  	_ =	swait.ge [sflag:s7], $0x800  }
0x85: {  	[sflag:s7] =	ssyncset.done $0x0  }
0x86: {  	[sflag:s7] =	ssyncadd.s32 $0xFFFFF800  }
0x87: {  	[bflag:$0x0] =	sbarrier.arrive $0xFFFF  }
0x88: {  	s1 =	rddreg [dreg:$0x8]  }
0x89: {  	[hbm:s1@s23], [sflag:s25] =	dma.strided @!p2 [spmem:s9@s24], $0x2000, s26, $0x8   }
0x8a: {  	_ =	swait.ge @!p2 [sflag:s22], $0x2000  }
0x8b: {  	[sflag:s22] =	ssyncset.done @!p2 $0x0  }
0x8c: {  	s1 =	rddreg [dreg:$0x9];
	[sflag:s22] =	ssyncadd.s32 @!p2 $0xFFFFE000  }
0x8d: {  	[hbm:s1@s23], [sflag:s25] =	dma.strided @!p2 [spmem:s8@s26], $0x400, s26, $0x1   }
0x8e: {  	_ =	swait.ge @!p2 [sflag:s22], $0x400  }
0x8f: {  	[sflag:s22] =	ssyncset.done @!p2 $0x0  }
0x90: {  	s10 =	sadd.s32 $0xFFFFFFFF, s10;
	s1 =	rddreg [dreg:$0xe];
	[sflag:s22] =	ssyncadd.s32 @!p2 $0xFFFFFC00  }
0x91: {  	[hbm:s1@s0], [sflag:s30] =	dma.strided @p1 [spmem:s6@s29], $0x2000, s31, $0x8   }
0x92: {  	p4 =	sne.s32 s10, $0x0;
	_ =	swait.ge @p1 [sflag:s28], $0x2000  }
.Ltmp2:
0x93: {  	[sflag:s28] =	ssyncset.done @p1 $0x0;
	(pc) =	sbr.rel @p4 .LBB2_4-.Ltmp2, $4  }
0x94: {  	s1 =	rddreg [dreg:$0xf];
	[sflag:s28] =	ssyncadd.s32 @p1 $0xFFFFE000  }
0x95: {  	[hbm:s1@s0], [sflag:s30] =	dma.strided @p1 [spmem:s5@s31], $0x400, s31, $0x1   }
0x96: {  	_ =	swait.ge @p1 [sflag:s28], $0x400  }
0x97: {  	s1 =	rddreg [dreg:$0x10];
	[sflag:s28] =	ssyncset.done @p1 $0x0  }
0x98: {  	s20 =	rddreg [dreg:$0x4]  }
0x99: {  	s13 =	rddreg [dreg:$0x3]  }
0x9a: {  	s15 =	rddreg [dreg:$0x2]  }
0x9b: {  	s25 =	rddreg [dreg:$0x11]  }
0x9c: {  	s16 =	simm.s32 $0x40;
	s22 =	simm.s32 $0x20;
	s23 =	simm.s32 $0x80  }
.LBB2_6:
0x9d: {  	s0 =	rddreg [dreg:$0x5];
	p3 =	por !p1, !p3  }
0x9e: {  	s3 =	simm.s32 @!p0 $0x1C02;
	s10 =	simm.s32 @!p0 $0x2;
	[sflag:s28] =	ssyncadd.s32 @!p3 $0xFFFFFC00  }
0x9f: {  	[spmem:s1], [sflag:s3] =	dma.local @!p0 [hbm:s0], $0x2000  }
0xa0: {  	_ =	swait.ge @!p0 [sflag:s10], $0x2000  }
0xa1: {  	[sflag:s10] =	ssyncset.done @!p0 $0x0  }
0xa2: {  	s0 =	rddreg [dreg:$0x6];
	[sflag:s10] =	ssyncadd.s32 @!p0 $0xFFFFE000  }
0xa3: {  	[spmem:s19], [sflag:s3] =	dma.local @!p0 [hbm:s0], $0x400  }
0xa4: {  	_ =	swait.ge @!p0 [sflag:s10], $0x400  }
0xa5: {  	[sflag:s10] =	ssyncset.done @!p0 $0x0  }
0xa6: {  	[sflag:s10] =	ssyncadd.s32 @!p0 $0xFFFFFC00  }
0xa7: {  	[bflag:$0x0] =	sbarrier.arrive $0xFFFF  }
0xa8: {  	s26 =	rddreg [dreg:$0xa]  }
0xa9: {  	[tilespmem:s2], [sflag:$0x2] =	stream.linear.gather [hbm4b:s26+s2], $0x400, $0x38;
	[tilespmem:$0x13E20] =	vst v63  }
0xaa: {  	_ =	swait.ge [sflag:s7], $0x400  }
0xab: {  	[sflag:s7] =	ssyncset.done $0x0  }
0xac: {  	s28 =	rddreg [dreg:$0xb];
	[sflag:s7] =	ssyncadd.s32 $0xFFFFFC00  }
0xad: {  	[tilespmem:s17], [sflag:$0x2] =	stream.linear.gather [hbm4b:s28+s2], $0x10000, $0x38;
	[tilespmem:$0x13E20] =	vst v63  }
0xae: {  	_ =	swait.ge [sflag:s7], $0x10000  }
0xaf: {  	[sflag:s7] =	ssyncset.done $0x0  }
0xb0: {  	s29 =	rddreg [dreg:$0x7];
	[sflag:s7] =	ssyncadd.s32 $0xFFFF0000  }
0xb1: {  	[tilespmem:s18], [sflag:$0x2] =	stream.linear.gather [hbm4b:s29+s2], $0x2000, $0x38;
	[tilespmem:$0x13E20] =	vst v63  }
0xb2: {  	_ =	swait.ge [sflag:s7], $0x2000  }
0xb3: {  	[sflag:s7] =	ssyncset.done $0x0  }
0xb4: {  	[sflag:s7] =	ssyncadd.s32 $0xFFFFE000  }
0xb5: {  	[spmem:s15] =	stream.indirect.scatter.add.f32 [tilespmem:s17], [sflag:$0x2], $0x40, s2, s17, $0xb8;
	[tilespmem:$0x13E20] =	vst v63  }
0xb6: {  	_ =	swait.ge [sflag:s7], $0x10000  }
0xb7: {  	[sflag:s7] =	ssyncset.done $0x0  }
0xb8: {  	[sflag:s7] =	ssyncadd.s32 $0xFFFF0000  }
0xb9: {  	[spmem:s13] =	stream.indirect.scatter.add.f32 [tilespmem:s18], [sflag:$0x2], $0x8, s2, s17, $0xb8;
	[tilespmem:$0x13E20] =	vst v63  }
0xba: {  	_ =	swait.ge [sflag:s7], $0x2000  }
0xbb: {  	[sflag:s7] =	ssyncset.done $0x0  }
0xbc: {  	s30 =	rddreg [dreg:$0xc];
	[sflag:s7] =	ssyncadd.s32 $0xFFFFE000  }
0xbd: {  	[tilespmem:s14], [sflag:$0x2] =	stream.linear.gather [hbm4b:s30+s2], $0x20, $0x38;
	[tilespmem:$0x13E20] =	vst v63  }
0xbe: {  	_ =	swait.ge [sflag:s7], $0x20  }
0xbf: {  	[sflag:s7] =	ssyncset.done $0x0  }
0xc0: {  	[sflag:s7] =	ssyncadd.s32 $0xFFFFFFE0  }
0xc1: {  	[tilespmem:s11], [sflag:$0x1] =	stream.indirect.gather [hbm4b:s4+s22], $0x40, s14, s22, $0xb8;
	[tilespmem:$0x13E20] =	vst v63  }
0xc2: {  	_ =	swait.ge [sflag:s12], $0x800  }
0xc3: {  	[sflag:s12] =	ssyncset.done $0x0  }
0xc4: {  	s31 =	rddreg [dreg:$0xd];
	[sflag:s12] =	ssyncadd.s32 $0xFFFFF800  }
0xc5: {  	[hbm4b:s31+s16] =	stream.strided.scatter [tilespmem:s11], [sflag:$0x2], $0x800, s23, s16, $0x38;
	[tilespmem:$0x13E20] =	vst v63  }
0xc6: {  	_ =	swait.ge [sflag:s7], $0x800  }
0xc7: {  	[sflag:s7] =	ssyncset.done $0x0  }
0xc8: {  	s1 =	simm.s32 @!p2 $0x2;
	[sflag:s7] =	ssyncadd.s32 $0xFFFFF800  }
0xc9: {  	s3 =	simm.s32 @!p2 $0x8;
	s2 =	simm.s32 @!p2 $0x10;
	[bflag:$0x0] =	sbarrier.arrive $0xFFFF  }
0xca: {  	s4 =	sor.u32 @!p2 $0x1C02, s25;
	s7 =	simm.s32 @!p2 $0x1;
	s0 =	rddreg [dreg:$0x8]  }
0xcb: {  	[hbm:s0@s2], [sflag:s4] =	dma.strided @!p2 [spmem:s9@s3], $0x2000, s7, $0x8   }
0xcc: {  	_ =	swait.ge @!p2 [sflag:s1], $0x2000  }
0xcd: {  	[sflag:s1] =	ssyncset.done @!p2 $0x0  }
0xce: {  	s0 =	rddreg [dreg:$0x9];
	[sflag:s1] =	ssyncadd.s32 @!p2 $0xFFFFE000  }
0xcf: {  	[hbm:s0@s2], [sflag:s4] =	dma.strided @!p2 [spmem:s8@s7], $0x400, s7, $0x1   }
0xd0: {  	s3 =	simm.s32 @p1 $0x1C02;
	s2 =	simm.s32 @p1 $0x2;
	_ =	swait.ge @!p2 [sflag:s1], $0x400  }
0xd1: {  	s4 =	simm.s32 @p1 $0x1;
	s7 =	simm.s32 @p1 $0x10;
	[sflag:s1] =	ssyncset.done @!p2 $0x0  }
0xd2: {  	s0 =	rddreg [dreg:$0xe];
	[sflag:s1] =	ssyncadd.s32 @!p2 $0xFFFFFC00;
	s1 =	simm.s32 @p1 $0x8  }
0xd3: {  	[hbm:s0@s7], [sflag:s3] =	dma.strided @p1 [spmem:s6@s1], $0x2000, s4, $0x8   }
0xd4: {  	_ =	swait.ge @p1 [sflag:s2], $0x2000  }
0xd5: {  	[sflag:s2] =	ssyncset.done @p1 $0x0  }
0xd6: {  	s0 =	rddreg [dreg:$0xf];
	[sflag:s2] =	ssyncadd.s32 @p1 $0xFFFFE000  }
0xd7: {  	[hbm:s0@s7], [sflag:s3] =	dma.strided @p1 [spmem:s5@s4], $0x400, s4, $0x1   }
0xd8: {  	_ =	swait.ge @p1 [sflag:s2], $0x400  }
0xd9: {  	[sflag:s2] =	ssyncset.done @p1 $0x0  }
0xda: {  	[sflag:s2] =	ssyncadd.s32 @p1 $0xFFFFFC00  }
0xdb: {  	_ =	sfence.sel $0x180000  }
0xdc: {  	[bflag:$0x0] =	sbarrier.arrive $0xFFFF  }
0xdd: {  	_ =	strace $0x90000047  }
0xde: {  	s0 =	sadd.s32 @!p0 $0x100000, s20;
	[bflag:$0x2] =	sbarrier.arrive $0xFFFF  }
0xdf: {  	[sflag:s0] =	ssyncadd.tile.s32 @!p0 $0x1;
	_ =	shalt  }
.LBB2_1:
.Ltmp3:
0xe0: {  	(pc) =	sbr.rel .LBB2_6-.Ltmp3, $2  }
0xe1: {  	_ =	sdelay $0x2  }
0xe2: {  	_ = 	snop  }
.LBB2_3:
.Ltmp4:
0xe3: {  	s20 =	rddreg [dreg:$0x4];
	(pc) =	sbr.rel .LBB2_6-.Ltmp4, $4  }
0xe4: {  	s13 =	rddreg [dreg:$0x3]  }
0xe5: {  	s15 =	rddreg [dreg:$0x2]  }
0xe6: {  	s25 =	rddreg [dreg:$0x11]  }
0xe7: {  	s16 =	simm.s32 $0x40;
	s22 =	simm.s32 $0x20;
	s23 =	simm.s32 $0x80  }
.Lfunc_end2:
_tile_overlayer_lowered:
.L_overlay_start_2:
0xe8: {  	(tag) =	ssettag $0x2  }
0xe9: {  	s0 =	rddreg [dreg:$0x0];
	s2 =	stileid.u32  }
0xea: {  	s1 =	rddreg [dreg:$0x1];
	p0 =	sne.s32 s2, $0x0  }
0xeb: {  	s3 =	rddreg [dreg:$0x2];
	[bflag:$0x3] =	sbarrier.arrive $0xFFFF;
	s2 =	simm.s32 @!p0 $0x1C02  }
0xec: {  	[timem:s3], [sflag:s2] =	dma.local @!p0 [hbm:s0], s1  }
0xed: {  	s0 =	simm.s32 @!p0 $0x2  }
0xee: {  	_ =	swait.ge @!p0 [sflag:s0], s1  }
0xef: {  	s1 =	ssub.s32 @!p0 $0x0, s1;
	[sflag:s0] =	ssyncset.done @!p0 $0x0  }
0xf0: {  	[sflag:s0] =	ssyncadd.s32 @!p0 s1  }
0xf1: {  	[bflag:$0x3] =	sbarrier.arrive $0xFFFF  }
0xf2: {  	_ =	shalt  }

</sc_bundles>
